<compile_context>
chip_gen: v7x
topology: tpu7x:2x2x1
jax: 0.10.2.dev20260603
libtpu: 0.0.44.dev20260713+nightly
codegen_flags: <defaults>
</compile_context>

<pallas_src>
import functools

import jax
import jax.numpy as jnp
from jax import lax
from jax.experimental import pallas as pl
from jax.experimental.pallas import tpu as pltpu
from jax.experimental.pallas import tpu_sc as plsc

_BINS = [-1.8, -1.5429, -1.2857, -1.0286, -0.7714, -0.5143, -0.2571, 0.0,
         0.2571, 0.5143, 0.7714, 1.0286, 1.2857, 1.5429, 1.8]
_NB = 16
_N = 4096
_NT = 16
_CH = _N // _NT
_L = 16
_NV = _CH // _L

_i32 = jnp.int32

_DNUMS = lax.GatherDimensionNumbers(
    offset_dims=(), collapsed_slice_dims=(0,), start_index_map=(0,))


def _permute(v, idx):
    return lax.gather(v, idx[:, None], _DNUMS, slice_sizes=(1,),
                      mode=lax.GatherScatterMode.PROMISE_IN_BOUNDS)


def _body(y_hbm, mem_out, ord_out, cnt_out,
          y_ref, mnat, rks, gv_a, gv_b, pos_a, pos_b,
          tcnt, allc, shared_cnt, shared_ord, sem):
    s = lax.axis_index("s")
    base = s * _CH
    lane = lax.iota(_i32, _L)
    zeros = jnp.zeros((_L,), _i32)
    ones = jnp.ones((_L,), _i32)
    fifteen = jnp.full((_L,), 15, _i32)
    shl_lane = (lane & 7) * 4
    mlow_lane = jnp.where(lane < 8, ones, zeros)

    def incl_prefix(v):
        p = v
        for sh in (1, 2, 4, 8):
            g = _permute(p, jnp.maximum(lane - sh, 0))
            p = p + g * jnp.where(lane >= sh, ones, zeros)
        return p

    pltpu.sync_copy(y_hbm.at[pl.ds(base, _CH)], y_ref)

    def p1_body(j, rcnt):
        yv = y_ref[pl.ds(j * _L, _L)]
        mv = zeros
        for b in _BINS:
            mv = mv + jnp.where(yv > b, ones, zeros)
        mlow = jnp.where(mv < 8, ones, zeros)
        sh = (mv & 7) * 4
        ohA = lax.shift_left(mlow, sh)
        ohB = lax.shift_left(ones - mlow, sh)
        exA = incl_prefix(ohA) - ohA
        exB = incl_prefix(ohB) - ohB
        crk_in = (mlow * (lax.shift_right_logical(exA, sh) & fifteen)
                  + (ones - mlow) * (lax.shift_right_logical(exB, sh) & fifteen))
        crk = crk_in + _permute(rcnt, mv)
        ta = _permute(exA, fifteen)
        tb = _permute(exB, fifteen)
        hist = (mlow_lane * (lax.shift_right_logical(ta, shl_lane) & fifteen)
                + (ones - mlow_lane) * (lax.shift_right_logical(tb, shl_lane) & fifteen)
                + jnp.where(lane == _permute(mv, fifteen), ones, zeros))
        mnat[pl.ds(j * _L, _L)] = mv
        rks[pl.ds(j * _L, _L)] = crk
        return rcnt + hist

    rcnt = lax.fori_loop(0, _NV, p1_body, zeros)
    for j in range(_NV):
        half, jj = divmod(j, _NV // 2)
        gref = gv_a if half == 0 else gv_b
        gref[pl.ds(jj * _L, _L)] = base + j * _L + lane

    m1 = pltpu.async_copy(mnat, mem_out.at[pl.ds(base, _CH)], sem)

    tcnt[...] = rcnt
    pltpu.sync_copy(tcnt, shared_cnt.at[pl.ds(s * _NB, _NB)])
    plsc.subcore_barrier()
    pltpu.sync_copy(shared_cnt, allc)

    tot = zeros
    prev = zeros
    svec = zeros + s
    for t in range(_NT):
        ct = allc[pl.ds(t * _NB, _NB)]
        tot = tot + ct
        prev = prev + ct * jnp.where(jnp.full((_L,), t, _i32) < svec, ones, zeros)
    ts_vec = incl_prefix(tot) - tot + prev

    @pl.when(s == 0)
    def _():
        tcnt[...] = tot
        pltpu.sync_copy(tcnt, cnt_out)

    for half, pref in ((0, pos_a), (1, pos_b)):
        def p2_body(jj, _, pref=pref, off=half * (_NV // 2)):
            j = jj + off
            mv = mnat[pl.ds(j * _L, _L)]
            pref[pl.ds(jj * _L, _L)] = (rks[pl.ds(j * _L, _L)]
                                        + _permute(ts_vec, mv))
            return 0
        lax.fori_loop(0, _NV // 2, p2_body, 0)
    s1 = pltpu.async_copy(gv_a, shared_ord.at[pos_a], sem)
    s2 = pltpu.async_copy(gv_b, shared_ord.at[pos_b], sem)
    m1.wait()
    s1.wait()
    s2.wait()
    plsc.subcore_barrier()

    pltpu.sync_copy(shared_ord.at[pl.ds(base, _CH)], ord_out.at[pl.ds(base, _CH)])


@jax.jit
def kernel(x):
    xf = x[0, :, 0]
    run = functools.partial(
        pl.kernel,
        out_type=(
            jax.ShapeDtypeStruct((_N,), _i32),
            jax.ShapeDtypeStruct((_N,), _i32),
            jax.ShapeDtypeStruct((_NB,), _i32),
        ),
        mesh=plsc.VectorSubcoreMesh(core_axis_name="c", subcore_axis_name="s"),
        scratch_types=[
            pltpu.VMEM((_CH,), jnp.float32),
            pltpu.VMEM((_CH,), _i32),
            pltpu.VMEM((_CH,), _i32),
            pltpu.VMEM((128,), _i32),
            pltpu.VMEM((128,), _i32),
            pltpu.VMEM((128,), _i32),
            pltpu.VMEM((128,), _i32),
            pltpu.VMEM((_NB,), _i32),
            pltpu.VMEM((_NT * _NB,), _i32),
            pltpu.VMEM_SHARED((_NT * _NB,), _i32),
            pltpu.VMEM_SHARED((_N,), _i32),
            pltpu.SemaphoreType.DMA,
        ],
    )(_body)
    memberships, order, counts = run(xf)
    return memberships, order, counts

# --- scband reference (transcript-rebuilt; emitter-appended) ---
"""Pipeline reference for scband-dispatch-by-variable-32693291057743 (READ-ONLY COPY).

The authoritative reference and input builder live on the scoring server;
editing this copy changes nothing except your own understanding.
"""

import jax, jax.numpy as jnp
import numpy as np

BINS = [-1.8, -1.5429, -1.2857, -1.0286, -0.7714, -0.5143, -0.2571, 0.0, 0.2571, 0.5143, 0.7714, 1.0286, 1.2857, 1.5429, 1.8]
VARIABLE = 0
INDEX = 0
NUM_GROUPS = len(BINS) + 1


def setup_inputs(seed: int = 0) -> dict:
    key = jax.random.key(seed)
    x = jax.random.normal(key, (4, 4096, 2048), dtype=jnp.float32)
    return {"x": x}


def reference(x):
    # DispatchByVariable.forward:
    #   y = x[variable][..., index]
    y = x[VARIABLE][..., INDEX]
    # bucketize: result += (y > boundary) for each boundary
    memberships = jnp.zeros(y.shape, dtype=jnp.int32)
    for b in BINS:
        memberships = memberships + (y > b).astype(jnp.int32)
    # GroupBy(memberships): compute_group_indices gathers token indices per bin.
    # Static-shape JAX equivalent: stable argsort groups token indices by bin id
    # (concatenation of group_indices[0..K-1]), plus per-group counts to delimit groups.
    flat = memberships.reshape(-1)
    order = jnp.argsort(flat, stable=True)
    counts = jnp.bincount(flat, length=NUM_GROUPS)
    return memberships, order, counts

if __name__ == "__main__":
    import jax
    _d = setup_inputs()
    print(jax.jit(kernel)(*tuple(_d.values())))

</pallas_src>

<mosaic_0001>
#map = affine_map<(d0, d1) -> (0)>
module attributes {stable_mosaic.version = 14 : i64} {
  func.func @_body(%arg0: i32, %arg1: i32, %arg2: memref<4096xf32, #tpu.memory_space<hbm>>, %arg3: memref<4096xi32, #tpu.memory_space<hbm>>, %arg4: memref<4096xi32, #tpu.memory_space<hbm>>, %arg5: memref<16xi32, #tpu.memory_space<hbm>>, %arg6: memref<256xf32, #tpu.memory_space<vmem>>, %arg7: memref<256xi32, #tpu.memory_space<vmem>>, %arg8: memref<256xi32, #tpu.memory_space<vmem>>, %arg9: memref<128xi32, #tpu.memory_space<vmem>>, %arg10: memref<128xi32, #tpu.memory_space<vmem>>, %arg11: memref<128xi32, #tpu.memory_space<vmem>>, %arg12: memref<128xi32, #tpu.memory_space<vmem>>, %arg13: memref<16xi32, #tpu.memory_space<vmem>>, %arg14: memref<256xi32, #tpu.memory_space<vmem>>, %arg15: memref<256xi32, #tpu.memory_space<vmem_shared>>, %arg16: memref<4096xi32, #tpu.memory_space<vmem_shared>>, %arg17: memref<!tpu.dma_semaphore, #tpu.memory_space<semaphore_mem>>) attributes {dimension_semantics = [#tpu.dimension_semantics<core_parallel>, #tpu.dimension_semantics<subcore_parallel>], iteration_bounds = array<i64: 2, 16>, scalar_prefetch = 0 : i64, scratch_operands = 12 : i64, tpu.core_type = #tpu.core_type<sc_vector_subcore>, window_params = [{transform_indices = #map}, {transform_indices = #map}, {transform_indices = #map}, {transform_indices = #map}]} {
    %mul3A = arith.constant 256 : i32
    %mul3A_0 = arith.muli %arg1, %mul3A : i32
    %iota3A = tpu.iota {dimensions = array<i32: 0>} : vector<16xi32>
    %broadcast_in_dim3A = arith.constant 0 : i32
    %broadcast_in_dim3A_1 = vector.broadcast %broadcast_in_dim3A : i32 to vector<16xi32>
    %broadcast_in_dim3A_2 = arith.constant 1 : i32
    %broadcast_in_dim3A_3 = vector.broadcast %broadcast_in_dim3A_2 : i32 to vector<16xi32>
    %broadcast_in_dim3A_4 = arith.constant 15 : i32
    %broadcast_in_dim3A_5 = vector.broadcast %broadcast_in_dim3A_4 : i32 to vector<16xi32>
    %and3A = arith.constant 7 : i32
    %and3A_6 = vector.broadcast %and3A : i32 to vector<16xi32>
    %and3A_7 = arith.andi %iota3A, %and3A_6 : vector<16xi32>
    %mul3A_8 = arith.constant 4 : i32
    %mul3A_9 = vector.broadcast %mul3A_8 : i32 to vector<16xi32>
    %mul3A_10 = arith.muli %and3A_7, %mul3A_9 : vector<16xi32>
    %lt3A = arith.constant 8 : i32
    %lt3A_11 = vector.broadcast %lt3A : i32 to vector<16xi32>
    %lt3A_12 = arith.cmpi slt, %iota3A, %lt3A_11 : vector<16xi32>
    %select_n3A = arith.select %lt3A_12, %broadcast_in_dim3A_3, %broadcast_in_dim3A_1 : vector<16xi1>, vector<16xi32>
    "tpu.region"() ({
      %run_scoped3A = tpu.sem_alloc : memref<!tpu.dma_semaphore, #tpu.memory_space<semaphore_mem>>
      %dma_start3A_396 = tpu.memref_slice %arg2[%mul3A_0] : memref<4096xf32, #tpu.memory_space<hbm>> -> memref<256xf32, #tpu.memory_space<hbm>>
      %dma_start3A_397 = tpu.memref_slice %arg2[%mul3A_0] : memref<4096xf32, #tpu.memory_space<hbm>> -> memref<256xf32, #tpu.memory_space<hbm>>
      tpu.enqueue_dma source(%dma_start3A_397 : memref<256xf32, #tpu.memory_space<hbm>>) target(%arg6 : memref<256xf32, #tpu.memory_space<vmem>>) target_semaphore(%run_scoped3A : memref<!tpu.dma_semaphore, #tpu.memory_space<semaphore_mem>>)
      %dma_wait3A_398 = tpu.memref_slice %arg2[%mul3A_0] : memref<4096xf32, #tpu.memory_space<hbm>> -> memref<256xf32, #tpu.memory_space<hbm>>
      %dma_wait3A_399 = tpu.memref_slice %arg2[%mul3A_0] : memref<4096xf32, #tpu.memory_space<hbm>> -> memref<256xf32, #tpu.memory_space<hbm>>
      tpu.wait_dma2 semaphore(%run_scoped3A : memref<!tpu.dma_semaphore, #tpu.memory_space<semaphore_mem>>) src(%dma_wait3A_399 : memref<256xf32, #tpu.memory_space<hbm>>) dst(%arg6 : memref<256xf32, #tpu.memory_space<vmem>>)
      tpu.yield
    }) : () -> ()
    %scan3A = arith.constant 0 : i32
    %scan3A_13 = arith.constant 16 : i32
    %scan3A_14 = arith.addi %scan3A, %scan3A_13 : i32
    %scan3A_15 = arith.constant 1 : i32
    %scan3A_16 = scf.for %scan3A_396 = %scan3A to %scan3A_14 step %scan3A_15 iter_args(%scan3A_397 = %broadcast_in_dim3A_1) -> (vector<16xi32>)  : i32 {
      %mul3A_398 = arith.constant 16 : i32
      %mul3A_399 = arith.muli %scan3A_396, %mul3A_398 : i32
      %get3A_400 = arith.index_cast %mul3A_399 : i32 to index
      %get3A_401 = tpu.vector_load %arg6[%get3A_400] {strides = array<i32>} : memref<256xf32, #tpu.memory_space<vmem>>, vector<16xf32>,
      %get3A_402 = vector.shape_cast %get3A_401 : vector<16xf32> to vector<16xf32>
      %gt3A = arith.constant -1.800000e+00 : f32
      %gt3A_403 = vector.broadcast %gt3A : f32 to vector<16xf32>
      %gt3A_404 = arith.cmpf ogt, %get3A_402, %gt3A_403 : vector<16xf32>
      %select_n3A_405 = arith.select %gt3A_404, %broadcast_in_dim3A_3, %broadcast_in_dim3A_1 : vector<16xi1>, vector<16xi32>
      %add3A_406 = arith.addi %broadcast_in_dim3A_1, %select_n3A_405 : vector<16xi32>
      %gt3A_407 = arith.constant -1.542900e+00 : f32
      %gt3A_408 = vector.broadcast %gt3A_407 : f32 to vector<16xf32>
      %gt3A_409 = arith.cmpf ogt, %get3A_402, %gt3A_408 : vector<16xf32>
      %select_n3A_410 = arith.select %gt3A_409, %broadcast_in_dim3A_3, %broadcast_in_dim3A_1 : vector<16xi1>, vector<16xi32>
      %add3A_411 = arith.addi %add3A_406, %select_n3A_410 : vector<16xi32>
      %gt3A_412 = arith.constant -1.285700e+00 : f32
      %gt3A_413 = vector.broadcast %gt3A_412 : f32 to vector<16xf32>
      %gt3A_414 = arith.cmpf ogt, %get3A_402, %gt3A_413 : vector<16xf32>
      %select_n3A_415 = arith.select %gt3A_414, %broadcast_in_dim3A_3, %broadcast_in_dim3A_1 : vector<16xi1>, vector<16xi32>
      %add3A_416 = arith.addi %add3A_411, %select_n3A_415 : vector<16xi32>
      %gt3A_417 = arith.constant -1.028600e+00 : f32
      %gt3A_418 = vector.broadcast %gt3A_417 : f32 to vector<16xf32>
      %gt3A_419 = arith.cmpf ogt, %get3A_402, %gt3A_418 : vector<16xf32>
      %select_n3A_420 = arith.select %gt3A_419, %broadcast_in_dim3A_3, %broadcast_in_dim3A_1 : vector<16xi1>, vector<16xi32>
      %add3A_421 = arith.addi %add3A_416, %select_n3A_420 : vector<16xi32>
      %gt3A_422 = arith.constant -0.771399974 : f32
      %gt3A_423 = vector.broadcast %gt3A_422 : f32 to vector<16xf32>
      %gt3A_424 = arith.cmpf ogt, %get3A_402, %gt3A_423 : vector<16xf32>
      %select_n3A_425 = arith.select %gt3A_424, %broadcast_in_dim3A_3, %broadcast_in_dim3A_1 : vector<16xi1>, vector<16xi32>
      %add3A_426 = arith.addi %add3A_421, %select_n3A_425 : vector<16xi32>
      %gt3A_427 = arith.constant -5.143000e-01 : f32
      %gt3A_428 = vector.broadcast %gt3A_427 : f32 to vector<16xf32>
      %gt3A_429 = arith.cmpf ogt, %get3A_402, %gt3A_428 : vector<16xf32>
      %select_n3A_430 = arith.select %gt3A_429, %broadcast_in_dim3A_3, %broadcast_in_dim3A_1 : vector<16xi1>, vector<16xi32>
      %add3A_431 = arith.addi %add3A_426, %select_n3A_430 : vector<16xi32>
      %gt3A_432 = arith.constant -2.571000e-01 : f32
      %gt3A_433 = vector.broadcast %gt3A_432 : f32 to vector<16xf32>
      %gt3A_434 = arith.cmpf ogt, %get3A_402, %gt3A_433 : vector<16xf32>
      %select_n3A_435 = arith.select %gt3A_434, %broadcast_in_dim3A_3, %broadcast_in_dim3A_1 : vector<16xi1>, vector<16xi32>
      %add3A_436 = arith.addi %add3A_431, %select_n3A_435 : vector<16xi32>
      %gt3A_437 = arith.constant 0.000000e+00 : f32
      %gt3A_438 = vector.broadcast %gt3A_437 : f32 to vector<16xf32>
      %gt3A_439 = arith.cmpf ogt, %get3A_402, %gt3A_438 : vector<16xf32>
      %select_n3A_440 = arith.select %gt3A_439, %broadcast_in_dim3A_3, %broadcast_in_dim3A_1 : vector<16xi1>, vector<16xi32>
      %add3A_441 = arith.addi %add3A_436, %select_n3A_440 : vector<16xi32>
      %gt3A_442 = arith.constant 2.571000e-01 : f32
      %gt3A_443 = vector.broadcast %gt3A_442 : f32 to vector<16xf32>
      %gt3A_444 = arith.cmpf ogt, %get3A_402, %gt3A_443 : vector<16xf32>
      %select_n3A_445 = arith.select %gt3A_444, %broadcast_in_dim3A_3, %broadcast_in_dim3A_1 : vector<16xi1>, vector<16xi32>
      %add3A_446 = arith.addi %add3A_441, %select_n3A_445 : vector<16xi32>
      %gt3A_447 = arith.constant 5.143000e-01 : f32
      %gt3A_448 = vector.broadcast %gt3A_447 : f32 to vector<16xf32>
      %gt3A_449 = arith.cmpf ogt, %get3A_402, %gt3A_448 : vector<16xf32>
      %select_n3A_450 = arith.select %gt3A_449, %broadcast_in_dim3A_3, %broadcast_in_dim3A_1 : vector<16xi1>, vector<16xi32>
      %add3A_451 = arith.addi %add3A_446, %select_n3A_450 : vector<16xi32>
      %gt3A_452 = arith.constant 0.771399974 : f32
      %gt3A_453 = vector.broadcast %gt3A_452 : f32 to vector<16xf32>
      %gt3A_454 = arith.cmpf ogt, %get3A_402, %gt3A_453 : vector<16xf32>
      %select_n3A_455 = arith.select %gt3A_454, %broadcast_in_dim3A_3, %broadcast_in_dim3A_1 : vector<16xi1>, vector<16xi32>
      %add3A_456 = arith.addi %add3A_451, %select_n3A_455 : vector<16xi32>
      %gt3A_457 = arith.constant 1.028600e+00 : f32
      %gt3A_458 = vector.broadcast %gt3A_457 : f32 to vector<16xf32>
      %gt3A_459 = arith.cmpf ogt, %get3A_402, %gt3A_458 : vector<16xf32>
      %select_n3A_460 = arith.select %gt3A_459, %broadcast_in_dim3A_3, %broadcast_in_dim3A_1 : vector<16xi1>, vector<16xi32>
      %add3A_461 = arith.addi %add3A_456, %select_n3A_460 : vector<16xi32>
      %gt3A_462 = arith.constant 1.285700e+00 : f32
      %gt3A_463 = vector.broadcast %gt3A_462 : f32 to vector<16xf32>
      %gt3A_464 = arith.cmpf ogt, %get3A_402, %gt3A_463 : vector<16xf32>
      %select_n3A_465 = arith.select %gt3A_464, %broadcast_in_dim3A_3, %broadcast_in_dim3A_1 : vector<16xi1>, vector<16xi32>
      %add3A_466 = arith.addi %add3A_461, %select_n3A_465 : vector<16xi32>
      %gt3A_467 = arith.constant 1.542900e+00 : f32
      %gt3A_468 = vector.broadcast %gt3A_467 : f32 to vector<16xf32>
      %gt3A_469 = arith.cmpf ogt, %get3A_402, %gt3A_468 : vector<16xf32>
      %select_n3A_470 = arith.select %gt3A_469, %broadcast_in_dim3A_3, %broadcast_in_dim3A_1 : vector<16xi1>, vector<16xi32>
      %add3A_471 = arith.addi %add3A_466, %select_n3A_470 : vector<16xi32>
      %gt3A_472 = arith.constant 1.800000e+00 : f32
      %gt3A_473 = vector.broadcast %gt3A_472 : f32 to vector<16xf32>
      %gt3A_474 = arith.cmpf ogt, %get3A_402, %gt3A_473 : vector<16xf32>
      %select_n3A_475 = arith.select %gt3A_474, %broadcast_in_dim3A_3, %broadcast_in_dim3A_1 : vector<16xi1>, vector<16xi32>
      %add3A_476 = arith.addi %add3A_471, %select_n3A_475 : vector<16xi32>
      %lt3A_477 = arith.constant 8 : i32
      %lt3A_478 = vector.broadcast %lt3A_477 : i32 to vector<16xi32>
      %lt3A_479 = arith.cmpi slt, %add3A_476, %lt3A_478 : vector<16xi32>
      %select_n3A_480 = arith.select %lt3A_479, %broadcast_in_dim3A_3, %broadcast_in_dim3A_1 : vector<16xi1>, vector<16xi32>
      %and3A_481 = arith.constant 7 : i32
      %and3A_482 = vector.broadcast %and3A_481 : i32 to vector<16xi32>
      %and3A_483 = arith.andi %add3A_476, %and3A_482 : vector<16xi32>
      %mul3A_484 = arith.constant 4 : i32
      %mul3A_485 = vector.broadcast %mul3A_484 : i32 to vector<16xi32>
      %mul3A_486 = arith.muli %and3A_483, %mul3A_485 : vector<16xi32>
      %shift_left3A = arith.shli %select_n3A_480, %mul3A_486 : vector<16xi32>
      %sub3A_487 = arith.subi %broadcast_in_dim3A_3, %select_n3A_480 : vector<16xi32>
      %shift_left3A_488 = arith.shli %sub3A_487, %mul3A_486 : vector<16xi32>
      %sub3A_489 = arith.constant 1 : i32
      %sub3A_490 = vector.broadcast %sub3A_489 : i32 to vector<16xi32>
      %sub3A_491 = arith.subi %iota3A, %sub3A_490 : vector<16xi32>
      %max3A_492 = arith.constant 0 : i32
      %max3A_493 = vector.broadcast %max3A_492 : i32 to vector<16xi32>
      %max3A_494 = arith.maxsi %sub3A_491, %max3A_493 : vector<16xi32>
      %broadcast_in_dim3A_495 = vector.shape_cast %max3A_494 : vector<16xi32> to vector<16x1xi32>
      %gather3A_496 = vector.shape_cast %broadcast_in_dim3A_495 : vector<16x1xi32> to vector<16xi32>
      %gather3A_497 = tpu.dynamic_gather %shift_left3A[%gather3A_496] in [0] : vector<16xi32>, vector<16xi32> -> vector<16xi32>
      %ge3A_498 = arith.constant 1 : i32
      %ge3A_499 = vector.broadcast %ge3A_498 : i32 to vector<16xi32>
      %ge3A_500 = arith.cmpi sge, %iota3A, %ge3A_499 : vector<16xi32>
      %select_n3A_501 = arith.select %ge3A_500, %broadcast_in_dim3A_3, %broadcast_in_dim3A_1 : vector<16xi1>, vector<16xi32>
      %mul3A_502 = arith.muli %gather3A_497, %select_n3A_501 : vector<16xi32>
      %add3A_503 = arith.addi %shift_left3A, %mul3A_502 : vector<16xi32>
      %sub3A_504 = arith.constant 2 : i32
      %sub3A_505 = vector.broadcast %sub3A_504 : i32 to vector<16xi32>
      %sub3A_506 = arith.subi %iota3A, %sub3A_505 : vector<16xi32>
      %max3A_507 = arith.constant 0 : i32
      %max3A_508 = vector.broadcast %max3A_507 : i32 to vector<16xi32>
      %max3A_509 = arith.maxsi %sub3A_506, %max3A_508 : vector<16xi32>
      %broadcast_in_dim3A_510 = vector.shape_cast %max3A_509 : vector<16xi32> to vector<16x1xi32>
      %gather3A_511 = vector.shape_cast %broadcast_in_dim3A_510 : vector<16x1xi32> to vector<16xi32>
      %gather3A_512 = tpu.dynamic_gather %add3A_503[%gather3A_511] in [0] : vector<16xi32>, vector<16xi32> -> vector<16xi32>
      %ge3A_513 = arith.constant 2 : i32
      %ge3A_514 = vector.broadcast %ge3A_513 : i32 to vector<16xi32>
      %ge3A_515 = arith.cmpi sge, %iota3A, %ge3A_514 : vector<16xi32>
      %select_n3A_516 = arith.select %ge3A_515, %broadcast_in_dim3A_3, %broadcast_in_dim3A_1 : vector<16xi1>, vector<16xi32>
      %mul3A_517 = arith.muli %gather3A_512, %select_n3A_516 : vector<16xi32>
      %add3A_518 = arith.addi %add3A_503, %mul3A_517 : vector<16xi32>
      %sub3A_519 = arith.constant 4 : i32
      %sub3A_520 = vector.broadcast %sub3A_519 : i32 to vector<16xi32>
      %sub3A_521 = arith.subi %iota3A, %sub3A_520 : vector<16xi32>
      %max3A_522 = arith.constant 0 : i32
      %max3A_523 = vector.broadcast %max3A_522 : i32 to vector<16xi32>
      %max3A_524 = arith.maxsi %sub3A_521, %max3A_523 : vector<16xi32>
      %broadcast_in_dim3A_525 = vector.shape_cast %max3A_524 : vector<16xi32> to vector<16x1xi32>
      %gather3A_526 = vector.shape_cast %broadcast_in_dim3A_525 : vector<16x1xi32> to vector<16xi32>
      %gather3A_527 = tpu.dynamic_gather %add3A_518[%gather3A_526] in [0] : vector<16xi32>, vector<16xi32> -> vector<16xi32>
      %ge3A_528 = arith.constant 4 : i32
      %ge3A_529 = vector.broadcast %ge3A_528 : i32 to vector<16xi32>
      %ge3A_530 = arith.cmpi sge, %iota3A, %ge3A_529 : vector<16xi32>
      %select_n3A_531 = arith.select %ge3A_530, %broadcast_in_dim3A_3, %broadcast_in_dim3A_1 : vector<16xi1>, vector<16xi32>
      %mul3A_532 = arith.muli %gather3A_527, %select_n3A_531 : vector<16xi32>
      %add3A_533 = arith.addi %add3A_518, %mul3A_532 : vector<16xi32>
      %sub3A_534 = arith.constant 8 : i32
      %sub3A_535 = vector.broadcast %sub3A_534 : i32 to vector<16xi32>
      %sub3A_536 = arith.subi %iota3A, %sub3A_535 : vector<16xi32>
      %max3A_537 = arith.constant 0 : i32
      %max3A_538 = vector.broadcast %max3A_537 : i32 to vector<16xi32>
      %max3A_539 = arith.maxsi %sub3A_536, %max3A_538 : vector<16xi32>
      %broadcast_in_dim3A_540 = vector.shape_cast %max3A_539 : vector<16xi32> to vector<16x1xi32>
      %gather3A_541 = vector.shape_cast %broadcast_in_dim3A_540 : vector<16x1xi32> to vector<16xi32>
      %gather3A_542 = tpu.dynamic_gather %add3A_533[%gather3A_541] in [0] : vector<16xi32>, vector<16xi32> -> vector<16xi32>
      %ge3A_543 = arith.constant 8 : i32
      %ge3A_544 = vector.broadcast %ge3A_543 : i32 to vector<16xi32>
      %ge3A_545 = arith.cmpi sge, %iota3A, %ge3A_544 : vector<16xi32>
      %select_n3A_546 = arith.select %ge3A_545, %broadcast_in_dim3A_3, %broadcast_in_dim3A_1 : vector<16xi1>, vector<16xi32>
      %mul3A_547 = arith.muli %gather3A_542, %select_n3A_546 : vector<16xi32>
      %add3A_548 = arith.addi %add3A_533, %mul3A_547 : vector<16xi32>
      %sub3A_549 = arith.subi %add3A_548, %shift_left3A : vector<16xi32>
      %sub3A_550 = arith.constant 1 : i32
      %sub3A_551 = vector.broadcast %sub3A_550 : i32 to vector<16xi32>
      %sub3A_552 = arith.subi %iota3A, %sub3A_551 : vector<16xi32>
      %max3A_553 = arith.constant 0 : i32
      %max3A_554 = vector.broadcast %max3A_553 : i32 to vector<16xi32>
      %max3A_555 = arith.maxsi %sub3A_552, %max3A_554 : vector<16xi32>
      %broadcast_in_dim3A_556 = vector.shape_cast %max3A_555 : vector<16xi32> to vector<16x1xi32>
      %gather3A_557 = vector.shape_cast %broadcast_in_dim3A_556 : vector<16x1xi32> to vector<16xi32>
      %gather3A_558 = tpu.dynamic_gather %shift_left3A_488[%gather3A_557] in [0] : vector<16xi32>, vector<16xi32> -> vector<16xi32>
      %ge3A_559 = arith.constant 1 : i32
      %ge3A_560 = vector.broadcast %ge3A_559 : i32 to vector<16xi32>
      %ge3A_561 = arith.cmpi sge, %iota3A, %ge3A_560 : vector<16xi32>
      %select_n3A_562 = arith.select %ge3A_561, %broadcast_in_dim3A_3, %broadcast_in_dim3A_1 : vector<16xi1>, vector<16xi32>
      %mul3A_563 = arith.muli %gather3A_558, %select_n3A_562 : vector<16xi32>
      %add3A_564 = arith.addi %shift_left3A_488, %mul3A_563 : vector<16xi32>
      %sub3A_565 = arith.constant 2 : i32
      %sub3A_566 = vector.broadcast %sub3A_565 : i32 to vector<16xi32>
      %sub3A_567 = arith.subi %iota3A, %sub3A_566 : vector<16xi32>
      %max3A_568 = arith.constant 0 : i32
      %max3A_569 = vector.broadcast %max3A_568 : i32 to vector<16xi32>
      %max3A_570 = arith.maxsi %sub3A_567, %max3A_569 : vector<16xi32>
      %broadcast_in_dim3A_571 = vector.shape_cast %max3A_570 : vector<16xi32> to vector<16x1xi32>
      %gather3A_572 = vector.shape_cast %broadcast_in_dim3A_571 : vector<16x1xi32> to vector<16xi32>
      %gather3A_573 = tpu.dynamic_gather %add3A_564[%gather3A_572] in [0] : vector<16xi32>, vector<16xi32> -> vector<16xi32>
      %ge3A_574 = arith.constant 2 : i32
      %ge3A_575 = vector.broadcast %ge3A_574 : i32 to vector<16xi32>
      %ge3A_576 = arith.cmpi sge, %iota3A, %ge3A_575 : vector<16xi32>
      %select_n3A_577 = arith.select %ge3A_576, %broadcast_in_dim3A_3, %broadcast_in_dim3A_1 : vector<16xi1>, vector<16xi32>
      %mul3A_578 = arith.muli %gather3A_573, %select_n3A_577 : vector<16xi32>
      %add3A_579 = arith.addi %add3A_564, %mul3A_578 : vector<16xi32>
      %sub3A_580 = arith.constant 4 : i32
      %sub3A_581 = vector.broadcast %sub3A_580 : i32 to vector<16xi32>
      %sub3A_582 = arith.subi %iota3A, %sub3A_581 : vector<16xi32>
      %max3A_583 = arith.constant 0 : i32
      %max3A_584 = vector.broadcast %max3A_583 : i32 to vector<16xi32>
      %max3A_585 = arith.maxsi %sub3A_582, %max3A_584 : vector<16xi32>
      %broadcast_in_dim3A_586 = vector.shape_cast %max3A_585 : vector<16xi32> to vector<16x1xi32>
      %gather3A_587 = vector.shape_cast %broadcast_in_dim3A_586 : vector<16x1xi32> to vector<16xi32>
      %gather3A_588 = tpu.dynamic_gather %add3A_579[%gather3A_587] in [0] : vector<16xi32>, vector<16xi32> -> vector<16xi32>
      %ge3A_589 = arith.constant 4 : i32
      %ge3A_590 = vector.broadcast %ge3A_589 : i32 to vector<16xi32>
      %ge3A_591 = arith.cmpi sge, %iota3A, %ge3A_590 : vector<16xi32>
      %select_n3A_592 = arith.select %ge3A_591, %broadcast_in_dim3A_3, %broadcast_in_dim3A_1 : vector<16xi1>, vector<16xi32>
      %mul3A_593 = arith.muli %gather3A_588, %select_n3A_592 : vector<16xi32>
      %add3A_594 = arith.addi %add3A_579, %mul3A_593 : vector<16xi32>
      %sub3A_595 = arith.constant 8 : i32
      %sub3A_596 = vector.broadcast %sub3A_595 : i32 to vector<16xi32>
      %sub3A_597 = arith.subi %iota3A, %sub3A_596 : vector<16xi32>
      %max3A_598 = arith.constant 0 : i32
      %max3A_599 = vector.broadcast %max3A_598 : i32 to vector<16xi32>
      %max3A_600 = arith.maxsi %sub3A_597, %max3A_599 : vector<16xi32>
      %broadcast_in_dim3A_601 = vector.shape_cast %max3A_600 : vector<16xi32> to vector<16x1xi32>
      %gather3A_602 = vector.shape_cast %broadcast_in_dim3A_601 : vector<16x1xi32> to vector<16xi32>
      %gather3A_603 = tpu.dynamic_gather %add3A_594[%gather3A_602] in [0] : vector<16xi32>, vector<16xi32> -> vector<16xi32>
      %ge3A_604 = arith.constant 8 : i32
      %ge3A_605 = vector.broadcast %ge3A_604 : i32 to vector<16xi32>
      %ge3A_606 = arith.cmpi sge, %iota3A, %ge3A_605 : vector<16xi32>
      %select_n3A_607 = arith.select %ge3A_606, %broadcast_in_dim3A_3, %broadcast_in_dim3A_1 : vector<16xi1>, vector<16xi32>
      %mul3A_608 = arith.muli %gather3A_603, %select_n3A_607 : vector<16xi32>
      %add3A_609 = arith.addi %add3A_594, %mul3A_608 : vector<16xi32>
      %sub3A_610 = arith.subi %add3A_609, %shift_left3A_488 : vector<16xi32>
      %shift_right_logical3A = arith.shrui %sub3A_549, %mul3A_486 : vector<16xi32>
      %and3A_611 = arith.andi %shift_right_logical3A, %broadcast_in_dim3A_5 : vector<16xi32>
      %mul3A_612 = arith.muli %select_n3A_480, %and3A_611 : vector<16xi32>
      %sub3A_613 = arith.subi %broadcast_in_dim3A_3, %select_n3A_480 : vector<16xi32>
      %shift_right_logical3A_614 = arith.shrui %sub3A_610, %mul3A_486 : vector<16xi32>
      %and3A_615 = arith.andi %shift_right_logical3A_614, %broadcast_in_dim3A_5 : vector<16xi32>
      %mul3A_616 = arith.muli %sub3A_613, %and3A_615 : vector<16xi32>
      %add3A_617 = arith.addi %mul3A_612, %mul3A_616 : vector<16xi32>
      %broadcast_in_dim3A_618 = vector.shape_cast %add3A_476 : vector<16xi32> to vector<16x1xi32>
      %gather3A_619 = vector.shape_cast %broadcast_in_dim3A_618 : vector<16x1xi32> to vector<16xi32>
      %gather3A_620 = tpu.dynamic_gather %scan3A_397[%gather3A_619] in [0] : vector<16xi32>, vector<16xi32> -> vector<16xi32>
      %add3A_621 = arith.addi %add3A_617, %gather3A_620 : vector<16xi32>
      %broadcast_in_dim3A_622 = vector.shape_cast %broadcast_in_dim3A_5 : vector<16xi32> to vector<16x1xi32>
      %gather3A_623 = vector.shape_cast %broadcast_in_dim3A_622 : vector<16x1xi32> to vector<16xi32>
      %gather3A_624 = tpu.dynamic_gather %sub3A_549[%gather3A_623] in [0] : vector<16xi32>, vector<16xi32> -> vector<16xi32>
      %broadcast_in_dim3A_625 = vector.shape_cast %broadcast_in_dim3A_5 : vector<16xi32> to vector<16x1xi32>
      %gather3A_626 = vector.shape_cast %broadcast_in_dim3A_625 : vector<16x1xi32> to vector<16xi32>
      %gather3A_627 = tpu.dynamic_gather %sub3A_610[%gather3A_626] in [0] : vector<16xi32>, vector<16xi32> -> vector<16xi32>
      %shift_right_logical3A_628 = arith.shrui %gather3A_624, %mul3A_10 : vector<16xi32>
      %and3A_629 = arith.andi %shift_right_logical3A_628, %broadcast_in_dim3A_5 : vector<16xi32>
      %mul3A_630 = arith.muli %select_n3A, %and3A_629 : vector<16xi32>
      %sub3A_631 = arith.subi %broadcast_in_dim3A_3, %select_n3A : vector<16xi32>
      %shift_right_logical3A_632 = arith.shrui %gather3A_627, %mul3A_10 : vector<16xi32>
      %and3A_633 = arith.andi %shift_right_logical3A_632, %broadcast_in_dim3A_5 : vector<16xi32>
      %mul3A_634 = arith.muli %sub3A_631, %and3A_633 : vector<16xi32>
      %add3A_635 = arith.addi %mul3A_630, %mul3A_634 : vector<16xi32>
      %broadcast_in_dim3A_636 = vector.shape_cast %broadcast_in_dim3A_5 : vector<16xi32> to vector<16x1xi32>
      %gather3A_637 = vector.shape_cast %broadcast_in_dim3A_636 : vector<16x1xi32> to vector<16xi32>
      %gather3A_638 = tpu.dynamic_gather %add3A_476[%gather3A_637] in [0] : vector<16xi32>, vector<16xi32> -> vector<16xi32>
      %eq3A_639 = arith.cmpi eq, %iota3A, %gather3A_638 : vector<16xi32>
      %select_n3A_640 = arith.select %eq3A_639, %broadcast_in_dim3A_3, %broadcast_in_dim3A_1 : vector<16xi1>, vector<16xi32>
      %add3A_641 = arith.addi %add3A_635, %select_n3A_640 : vector<16xi32>
      %mul3A_642 = arith.constant 16 : i32
      %mul3A_643 = arith.muli %scan3A_396, %mul3A_642 : i32
      %swap3A_644 = arith.index_cast %mul3A_643 : i32 to index
      %swap3A_645 = tpu.vector_load %arg7[%swap3A_644] {strides = array<i32>} : memref<256xi32, #tpu.memory_space<vmem>>, vector<16xi32>,
      %swap3A_646 = vector.shape_cast %swap3A_645 : vector<16xi32> to vector<16xi32>
      %swap3A_647 = vector.shape_cast %add3A_476 : vector<16xi32> to vector<16xi32>
      tpu.vector_store %arg7[%swap3A_644], %swap3A_647 {strides = array<i32>} : memref<256xi32, #tpu.memory_space<vmem>>, vector<16xi32>,
      %mul3A_648 = arith.constant 16 : i32
      %mul3A_649 = arith.muli %scan3A_396, %mul3A_648 : i32
      %swap3A_650 = arith.index_cast %mul3A_649 : i32 to index
      %swap3A_651 = tpu.vector_load %arg8[%swap3A_650] {strides = array<i32>} : memref<256xi32, #tpu.memory_space<vmem>>, vector<16xi32>,
      %swap3A_652 = vector.shape_cast %swap3A_651 : vector<16xi32> to vector<16xi32>
      %swap3A_653 = vector.shape_cast %add3A_621 : vector<16xi32> to vector<16xi32>
      tpu.vector_store %arg8[%swap3A_650], %swap3A_653 {strides = array<i32>} : memref<256xi32, #tpu.memory_space<vmem>>, vector<16xi32>,
      %add3A_654 = arith.addi %scan3A_397, %add3A_641 : vector<16xi32>
      scf.yield %add3A_654 : vector<16xi32>
    }
    %scan3A_17 = arith.constant 16 : i32
    %add3A = arith.constant 0 : i32
    %add3A_18 = arith.addi %mul3A_0, %add3A : i32
    %add3A_19 = vector.broadcast %add3A_18 : i32 to vector<16xi32>
    %add3A_20 = arith.addi %add3A_19, %iota3A : vector<16xi32>
    %swap3A = arith.constant 0 : index
    %swap3A_21 = tpu.vector_load %arg9[%swap3A] {strides = array<i32>} : memref<128xi32, #tpu.memory_space<vmem>>, vector<16xi32>,
    %swap3A_22 = vector.shape_cast %swap3A_21 : vector<16xi32> to vector<16xi32>
    %swap3A_23 = vector.shape_cast %add3A_20 : vector<16xi32> to vector<16xi32>
    tpu.vector_store %arg9[%swap3A], %swap3A_23 {strides = array<i32>} : memref<128xi32, #tpu.memory_space<vmem>>, vector<16xi32>,
    %add3A_24 = arith.constant 16 : i32
    %add3A_25 = arith.addi %mul3A_0, %add3A_24 : i32
    %add3A_26 = vector.broadcast %add3A_25 : i32 to vector<16xi32>
    %add3A_27 = arith.addi %add3A_26, %iota3A : vector<16xi32>
    %swap3A_28 = arith.constant 16 : index
    %swap3A_29 = tpu.vector_load %arg9[%swap3A_28] {strides = array<i32>} : memref<128xi32, #tpu.memory_space<vmem>>, vector<16xi32>,
    %swap3A_30 = vector.shape_cast %swap3A_29 : vector<16xi32> to vector<16xi32>
    %swap3A_31 = vector.shape_cast %add3A_27 : vector<16xi32> to vector<16xi32>
    tpu.vector_store %arg9[%swap3A_28], %swap3A_31 {strides = array<i32>} : memref<128xi32, #tpu.memory_space<vmem>>, vector<16xi32>,
    %add3A_32 = arith.constant 32 : i32
    %add3A_33 = arith.addi %mul3A_0, %add3A_32 : i32
    %add3A_34 = vector.broadcast %add3A_33 : i32 to vector<16xi32>
    %add3A_35 = arith.addi %add3A_34, %iota3A : vector<16xi32>
    %swap3A_36 = arith.constant 32 : index
    %swap3A_37 = tpu.vector_load %arg9[%swap3A_36] {strides = array<i32>} : memref<128xi32, #tpu.memory_space<vmem>>, vector<16xi32>,
    %swap3A_38 = vector.shape_cast %swap3A_37 : vector<16xi32> to vector<16xi32>
    %swap3A_39 = vector.shape_cast %add3A_35 : vector<16xi32> to vector<16xi32>
    tpu.vector_store %arg9[%swap3A_36], %swap3A_39 {strides = array<i32>} : memref<128xi32, #tpu.memory_space<vmem>>, vector<16xi32>,
    %add3A_40 = arith.constant 48 : i32
    %add3A_41 = arith.addi %mul3A_0, %add3A_40 : i32
    %add3A_42 = vector.broadcast %add3A_41 : i32 to vector<16xi32>
    %add3A_43 = arith.addi %add3A_42, %iota3A : vector<16xi32>
    %swap3A_44 = arith.constant 48 : index
    %swap3A_45 = tpu.vector_load %arg9[%swap3A_44] {strides = array<i32>} : memref<128xi32, #tpu.memory_space<vmem>>, vector<16xi32>,
    %swap3A_46 = vector.shape_cast %swap3A_45 : vector<16xi32> to vector<16xi32>
    %swap3A_47 = vector.shape_cast %add3A_43 : vector<16xi32> to vector<16xi32>
    tpu.vector_store %arg9[%swap3A_44], %swap3A_47 {strides = array<i32>} : memref<128xi32, #tpu.memory_space<vmem>>, vector<16xi32>,
    %add3A_48 = arith.constant 64 : i32
    %add3A_49 = arith.addi %mul3A_0, %add3A_48 : i32
    %add3A_50 = vector.broadcast %add3A_49 : i32 to vector<16xi32>
    %add3A_51 = arith.addi %add3A_50, %iota3A : vector<16xi32>
    %swap3A_52 = arith.constant 64 : index
    %swap3A_53 = tpu.vector_load %arg9[%swap3A_52] {strides = array<i32>} : memref<128xi32, #tpu.memory_space<vmem>>, vector<16xi32>,
    %swap3A_54 = vector.shape_cast %swap3A_53 : vector<16xi32> to vector<16xi32>
    %swap3A_55 = vector.shape_cast %add3A_51 : vector<16xi32> to vector<16xi32>
    tpu.vector_store %arg9[%swap3A_52], %swap3A_55 {strides = array<i32>} : memref<128xi32, #tpu.memory_space<vmem>>, vector<16xi32>,
    %add3A_56 = arith.constant 80 : i32
    %add3A_57 = arith.addi %mul3A_0, %add3A_56 : i32
    %add3A_58 = vector.broadcast %add3A_57 : i32 to vector<16xi32>
    %add3A_59 = arith.addi %add3A_58, %iota3A : vector<16xi32>
    %swap3A_60 = arith.constant 80 : index
    %swap3A_61 = tpu.vector_load %arg9[%swap3A_60] {strides = array<i32>} : memref<128xi32, #tpu.memory_space<vmem>>, vector<16xi32>,
    %swap3A_62 = vector.shape_cast %swap3A_61 : vector<16xi32> to vector<16xi32>
    %swap3A_63 = vector.shape_cast %add3A_59 : vector<16xi32> to vector<16xi32>
    tpu.vector_store %arg9[%swap3A_60], %swap3A_63 {strides = array<i32>} : memref<128xi32, #tpu.memory_space<vmem>>, vector<16xi32>,
    %add3A_64 = arith.constant 96 : i32
    %add3A_65 = arith.addi %mul3A_0, %add3A_64 : i32
    %add3A_66 = vector.broadcast %add3A_65 : i32 to vector<16xi32>
    %add3A_67 = arith.addi %add3A_66, %iota3A : vector<16xi32>
    %swap3A_68 = arith.constant 96 : index
    %swap3A_69 = tpu.vector_load %arg9[%swap3A_68] {strides = array<i32>} : memref<128xi32, #tpu.memory_space<vmem>>, vector<16xi32>,
    %swap3A_70 = vector.shape_cast %swap3A_69 : vector<16xi32> to vector<16xi32>
    %swap3A_71 = vector.shape_cast %add3A_67 : vector<16xi32> to vector<16xi32>
    tpu.vector_store %arg9[%swap3A_68], %swap3A_71 {strides = array<i32>} : memref<128xi32, #tpu.memory_space<vmem>>, vector<16xi32>,
    %add3A_72 = arith.constant 112 : i32
    %add3A_73 = arith.addi %mul3A_0, %add3A_72 : i32
    %add3A_74 = vector.broadcast %add3A_73 : i32 to vector<16xi32>
    %add3A_75 = arith.addi %add3A_74, %iota3A : vector<16xi32>
    %swap3A_76 = arith.constant 112 : index
    %swap3A_77 = tpu.vector_load %arg9[%swap3A_76] {strides = array<i32>} : memref<128xi32, #tpu.memory_space<vmem>>, vector<16xi32>,
    %swap3A_78 = vector.shape_cast %swap3A_77 : vector<16xi32> to vector<16xi32>
    %swap3A_79 = vector.shape_cast %add3A_75 : vector<16xi32> to vector<16xi32>
    tpu.vector_store %arg9[%swap3A_76], %swap3A_79 {strides = array<i32>} : memref<128xi32, #tpu.memory_space<vmem>>, vector<16xi32>,
    %add3A_80 = arith.constant 128 : i32
    %add3A_81 = arith.addi %mul3A_0, %add3A_80 : i32
    %add3A_82 = vector.broadcast %add3A_81 : i32 to vector<16xi32>
    %add3A_83 = arith.addi %add3A_82, %iota3A : vector<16xi32>
    %swap3A_84 = arith.constant 0 : index
    %swap3A_85 = tpu.vector_load %arg10[%swap3A_84] {strides = array<i32>} : memref<128xi32, #tpu.memory_space<vmem>>, vector<16xi32>,
    %swap3A_86 = vector.shape_cast %swap3A_85 : vector<16xi32> to vector<16xi32>
    %swap3A_87 = vector.shape_cast %add3A_83 : vector<16xi32> to vector<16xi32>
    tpu.vector_store %arg10[%swap3A_84], %swap3A_87 {strides = array<i32>} : memref<128xi32, #tpu.memory_space<vmem>>, vector<16xi32>,
    %add3A_88 = arith.constant 144 : i32
    %add3A_89 = arith.addi %mul3A_0, %add3A_88 : i32
    %add3A_90 = vector.broadcast %add3A_89 : i32 to vector<16xi32>
    %add3A_91 = arith.addi %add3A_90, %iota3A : vector<16xi32>
    %swap3A_92 = arith.constant 16 : index
    %swap3A_93 = tpu.vector_load %arg10[%swap3A_92] {strides = array<i32>} : memref<128xi32, #tpu.memory_space<vmem>>, vector<16xi32>,
    %swap3A_94 = vector.shape_cast %swap3A_93 : vector<16xi32> to vector<16xi32>
    %swap3A_95 = vector.shape_cast %add3A_91 : vector<16xi32> to vector<16xi32>
    tpu.vector_store %arg10[%swap3A_92], %swap3A_95 {strides = array<i32>} : memref<128xi32, #tpu.memory_space<vmem>>, vector<16xi32>,
    %add3A_96 = arith.constant 160 : i32
    %add3A_97 = arith.addi %mul3A_0, %add3A_96 : i32
    %add3A_98 = vector.broadcast %add3A_97 : i32 to vector<16xi32>
    %add3A_99 = arith.addi %add3A_98, %iota3A : vector<16xi32>
    %swap3A_100 = arith.constant 32 : index
    %swap3A_101 = tpu.vector_load %arg10[%swap3A_100] {strides = array<i32>} : memref<128xi32, #tpu.memory_space<vmem>>, vector<16xi32>,
    %swap3A_102 = vector.shape_cast %swap3A_101 : vector<16xi32> to vector<16xi32>
    %swap3A_103 = vector.shape_cast %add3A_99 : vector<16xi32> to vector<16xi32>
    tpu.vector_store %arg10[%swap3A_100], %swap3A_103 {strides = array<i32>} : memref<128xi32, #tpu.memory_space<vmem>>, vector<16xi32>,
    %add3A_104 = arith.constant 176 : i32
    %add3A_105 = arith.addi %mul3A_0, %add3A_104 : i32
    %add3A_106 = vector.broadcast %add3A_105 : i32 to vector<16xi32>
    %add3A_107 = arith.addi %add3A_106, %iota3A : vector<16xi32>
    %swap3A_108 = arith.constant 48 : index
    %swap3A_109 = tpu.vector_load %arg10[%swap3A_108] {strides = array<i32>} : memref<128xi32, #tpu.memory_space<vmem>>, vector<16xi32>,
    %swap3A_110 = vector.shape_cast %swap3A_109 : vector<16xi32> to vector<16xi32>
    %swap3A_111 = vector.shape_cast %add3A_107 : vector<16xi32> to vector<16xi32>
    tpu.vector_store %arg10[%swap3A_108], %swap3A_111 {strides = array<i32>} : memref<128xi32, #tpu.memory_space<vmem>>, vector<16xi32>,
    %add3A_112 = arith.constant 192 : i32
    %add3A_113 = arith.addi %mul3A_0, %add3A_112 : i32
    %add3A_114 = vector.broadcast %add3A_113 : i32 to vector<16xi32>
    %add3A_115 = arith.addi %add3A_114, %iota3A : vector<16xi32>
    %swap3A_116 = arith.constant 64 : index
    %swap3A_117 = tpu.vector_load %arg10[%swap3A_116] {strides = array<i32>} : memref<128xi32, #tpu.memory_space<vmem>>, vector<16xi32>,
    %swap3A_118 = vector.shape_cast %swap3A_117 : vector<16xi32> to vector<16xi32>
    %swap3A_119 = vector.shape_cast %add3A_115 : vector<16xi32> to vector<16xi32>
    tpu.vector_store %arg10[%swap3A_116], %swap3A_119 {strides = array<i32>} : memref<128xi32, #tpu.memory_space<vmem>>, vector<16xi32>,
    %add3A_120 = arith.constant 208 : i32
    %add3A_121 = arith.addi %mul3A_0, %add3A_120 : i32
    %add3A_122 = vector.broadcast %add3A_121 : i32 to vector<16xi32>
    %add3A_123 = arith.addi %add3A_122, %iota3A : vector<16xi32>
    %swap3A_124 = arith.constant 80 : index
    %swap3A_125 = tpu.vector_load %arg10[%swap3A_124] {strides = array<i32>} : memref<128xi32, #tpu.memory_space<vmem>>, vector<16xi32>,
    %swap3A_126 = vector.shape_cast %swap3A_125 : vector<16xi32> to vector<16xi32>
    %swap3A_127 = vector.shape_cast %add3A_123 : vector<16xi32> to vector<16xi32>
    tpu.vector_store %arg10[%swap3A_124], %swap3A_127 {strides = array<i32>} : memref<128xi32, #tpu.memory_space<vmem>>, vector<16xi32>,
    %add3A_128 = arith.constant 224 : i32
    %add3A_129 = arith.addi %mul3A_0, %add3A_128 : i32
    %add3A_130 = vector.broadcast %add3A_129 : i32 to vector<16xi32>
    %add3A_131 = arith.addi %add3A_130, %iota3A : vector<16xi32>
    %swap3A_132 = arith.constant 96 : index
    %swap3A_133 = tpu.vector_load %arg10[%swap3A_132] {strides = array<i32>} : memref<128xi32, #tpu.memory_space<vmem>>, vector<16xi32>,
    %swap3A_134 = vector.shape_cast %swap3A_133 : vector<16xi32> to vector<16xi32>
    %swap3A_135 = vector.shape_cast %add3A_131 : vector<16xi32> to vector<16xi32>
    tpu.vector_store %arg10[%swap3A_132], %swap3A_135 {strides = array<i32>} : memref<128xi32, #tpu.memory_space<vmem>>, vector<16xi32>,
    %add3A_136 = arith.constant 240 : i32
    %add3A_137 = arith.addi %mul3A_0, %add3A_136 : i32
    %add3A_138 = vector.broadcast %add3A_137 : i32 to vector<16xi32>
    %add3A_139 = arith.addi %add3A_138, %iota3A : vector<16xi32>
    %swap3A_140 = arith.constant 112 : index
    %swap3A_141 = tpu.vector_load %arg10[%swap3A_140] {strides = array<i32>} : memref<128xi32, #tpu.memory_space<vmem>>, vector<16xi32>,
    %swap3A_142 = vector.shape_cast %swap3A_141 : vector<16xi32> to vector<16xi32>
    %swap3A_143 = vector.shape_cast %add3A_139 : vector<16xi32> to vector<16xi32>
    tpu.vector_store %arg10[%swap3A_140], %swap3A_143 {strides = array<i32>} : memref<128xi32, #tpu.memory_space<vmem>>, vector<16xi32>,
    %dma_start3A = tpu.memref_slice %arg3[%mul3A_0] : memref<4096xi32, #tpu.memory_space<hbm>> -> memref<256xi32, #tpu.memory_space<hbm>>
    %dma_start3A_144 = tpu.memref_slice %arg3[%mul3A_0] : memref<4096xi32, #tpu.memory_space<hbm>> -> memref<256xi32, #tpu.memory_space<hbm>>
    tpu.enqueue_dma source(%arg7 : memref<256xi32, #tpu.memory_space<vmem>>) target(%dma_start3A_144 : memref<256xi32, #tpu.memory_space<hbm>>) target_semaphore(%arg17 : memref<!tpu.dma_semaphore, #tpu.memory_space<semaphore_mem>>)
    %swap3A_145 = arith.constant 0 : index
    %swap3A_146 = tpu.vector_load %arg13[%swap3A_145] {strides = array<i32>} : memref<16xi32, #tpu.memory_space<vmem>>, vector<16xi32>,
    %swap3A_147 = vector.shape_cast %swap3A_146 : vector<16xi32> to vector<16xi32>
    %swap3A_148 = vector.shape_cast %scan3A_16 : vector<16xi32> to vector<16xi32>
    tpu.vector_store %arg13[%swap3A_145], %swap3A_148 {strides = array<i32>} : memref<16xi32, #tpu.memory_space<vmem>>, vector<16xi32>,
    %mul3A_149 = arith.constant 16 : i32
    %mul3A_150 = arith.muli %arg1, %mul3A_149 : i32
    "tpu.region"() ({
      %run_scoped3A = tpu.sem_alloc : memref<!tpu.dma_semaphore, #tpu.memory_space<semaphore_mem>>
      %dma_start3A_396 = tpu.memref_slice %arg15[%mul3A_150] : memref<256xi32, #tpu.memory_space<vmem_shared>> -> memref<16xi32, #tpu.memory_space<vmem_shared>>
      %dma_start3A_397 = tpu.memref_slice %arg15[%mul3A_150] : memref<256xi32, #tpu.memory_space<vmem_shared>> -> memref<16xi32, #tpu.memory_space<vmem_shared>>
      tpu.enqueue_dma source(%arg13 : memref<16xi32, #tpu.memory_space<vmem>>) target(%dma_start3A_397 : memref<16xi32, #tpu.memory_space<vmem_shared>>) target_semaphore(%run_scoped3A : memref<!tpu.dma_semaphore, #tpu.memory_space<semaphore_mem>>)
      %dma_wait3A_398 = tpu.memref_slice %arg15[%mul3A_150] : memref<256xi32, #tpu.memory_space<vmem_shared>> -> memref<16xi32, #tpu.memory_space<vmem_shared>>
      %dma_wait3A_399 = tpu.memref_slice %arg15[%mul3A_150] : memref<256xi32, #tpu.memory_space<vmem_shared>> -> memref<16xi32, #tpu.memory_space<vmem_shared>>
      tpu.wait_dma2 semaphore(%run_scoped3A : memref<!tpu.dma_semaphore, #tpu.memory_space<semaphore_mem>>) src(%arg13 : memref<16xi32, #tpu.memory_space<vmem>>) dst(%dma_wait3A_399 : memref<16xi32, #tpu.memory_space<vmem_shared>>)
      tpu.yield
    }) : () -> ()
    %barrier3A = arith.constant 0 : index
    tpu.barrier barrier_id(%barrier3A)
    "tpu.region"() ({
      %run_scoped3A = tpu.sem_alloc : memref<!tpu.dma_semaphore, #tpu.memory_space<semaphore_mem>>
      tpu.enqueue_dma source(%arg15 : memref<256xi32, #tpu.memory_space<vmem_shared>>) target(%arg14 : memref<256xi32, #tpu.memory_space<vmem>>) target_semaphore(%run_scoped3A : memref<!tpu.dma_semaphore, #tpu.memory_space<semaphore_mem>>)
      tpu.wait_dma2 semaphore(%run_scoped3A : memref<!tpu.dma_semaphore, #tpu.memory_space<semaphore_mem>>) src(%arg15 : memref<256xi32, #tpu.memory_space<vmem_shared>>) dst(%arg14 : memref<256xi32, #tpu.memory_space<vmem>>)
      tpu.yield
    }) : () -> ()
    %add3A_151 = vector.broadcast %arg1 : i32 to vector<16xi32>
    %add3A_152 = arith.addi %broadcast_in_dim3A_1, %add3A_151 : vector<16xi32>
    %get3A = arith.constant 0 : index
    %get3A_153 = tpu.vector_load %arg14[%get3A] {strides = array<i32>} : memref<256xi32, #tpu.memory_space<vmem>>, vector<16xi32>,
    %get3A_154 = vector.shape_cast %get3A_153 : vector<16xi32> to vector<16xi32>
    %add3A_155 = arith.addi %broadcast_in_dim3A_1, %get3A_154 : vector<16xi32>
    %broadcast_in_dim3A_156 = arith.constant 0 : i32
    %broadcast_in_dim3A_157 = vector.broadcast %broadcast_in_dim3A_156 : i32 to vector<16xi32>
    %lt3A_158 = arith.cmpi slt, %broadcast_in_dim3A_157, %add3A_152 : vector<16xi32>
    %select_n3A_159 = arith.select %lt3A_158, %broadcast_in_dim3A_3, %broadcast_in_dim3A_1 : vector<16xi1>, vector<16xi32>
    %mul3A_160 = arith.muli %get3A_154, %select_n3A_159 : vector<16xi32>
    %add3A_161 = arith.addi %broadcast_in_dim3A_1, %mul3A_160 : vector<16xi32>
    %get3A_162 = arith.constant 16 : index
    %get3A_163 = tpu.vector_load %arg14[%get3A_162] {strides = array<i32>} : memref<256xi32, #tpu.memory_space<vmem>>, vector<16xi32>,
    %get3A_164 = vector.shape_cast %get3A_163 : vector<16xi32> to vector<16xi32>
    %add3A_165 = arith.addi %add3A_155, %get3A_164 : vector<16xi32>
    %broadcast_in_dim3A_166 = arith.constant 1 : i32
    %broadcast_in_dim3A_167 = vector.broadcast %broadcast_in_dim3A_166 : i32 to vector<16xi32>
    %lt3A_168 = arith.cmpi slt, %broadcast_in_dim3A_167, %add3A_152 : vector<16xi32>
    %select_n3A_169 = arith.select %lt3A_168, %broadcast_in_dim3A_3, %broadcast_in_dim3A_1 : vector<16xi1>, vector<16xi32>
    %mul3A_170 = arith.muli %get3A_164, %select_n3A_169 : vector<16xi32>
    %add3A_171 = arith.addi %add3A_161, %mul3A_170 : vector<16xi32>
    %get3A_172 = arith.constant 32 : index
    %get3A_173 = tpu.vector_load %arg14[%get3A_172] {strides = array<i32>} : memref<256xi32, #tpu.memory_space<vmem>>, vector<16xi32>,
    %get3A_174 = vector.shape_cast %get3A_173 : vector<16xi32> to vector<16xi32>
    %add3A_175 = arith.addi %add3A_165, %get3A_174 : vector<16xi32>
    %broadcast_in_dim3A_176 = arith.constant 2 : i32
    %broadcast_in_dim3A_177 = vector.broadcast %broadcast_in_dim3A_176 : i32 to vector<16xi32>
    %lt3A_178 = arith.cmpi slt, %broadcast_in_dim3A_177, %add3A_152 : vector<16xi32>
    %select_n3A_179 = arith.select %lt3A_178, %broadcast_in_dim3A_3, %broadcast_in_dim3A_1 : vector<16xi1>, vector<16xi32>
    %mul3A_180 = arith.muli %get3A_174, %select_n3A_179 : vector<16xi32>
    %add3A_181 = arith.addi %add3A_171, %mul3A_180 : vector<16xi32>
    %get3A_182 = arith.constant 48 : index
    %get3A_183 = tpu.vector_load %arg14[%get3A_182] {strides = array<i32>} : memref<256xi32, #tpu.memory_space<vmem>>, vector<16xi32>,
    %get3A_184 = vector.shape_cast %get3A_183 : vector<16xi32> to vector<16xi32>
    %add3A_185 = arith.addi %add3A_175, %get3A_184 : vector<16xi32>
    %broadcast_in_dim3A_186 = arith.constant 3 : i32
    %broadcast_in_dim3A_187 = vector.broadcast %broadcast_in_dim3A_186 : i32 to vector<16xi32>
    %lt3A_188 = arith.cmpi slt, %broadcast_in_dim3A_187, %add3A_152 : vector<16xi32>
    %select_n3A_189 = arith.select %lt3A_188, %broadcast_in_dim3A_3, %broadcast_in_dim3A_1 : vector<16xi1>, vector<16xi32>
    %mul3A_190 = arith.muli %get3A_184, %select_n3A_189 : vector<16xi32>
    %add3A_191 = arith.addi %add3A_181, %mul3A_190 : vector<16xi32>
    %get3A_192 = arith.constant 64 : index
    %get3A_193 = tpu.vector_load %arg14[%get3A_192] {strides = array<i32>} : memref<256xi32, #tpu.memory_space<vmem>>, vector<16xi32>,
    %get3A_194 = vector.shape_cast %get3A_193 : vector<16xi32> to vector<16xi32>
    %add3A_195 = arith.addi %add3A_185, %get3A_194 : vector<16xi32>
    %broadcast_in_dim3A_196 = arith.constant 4 : i32
    %broadcast_in_dim3A_197 = vector.broadcast %broadcast_in_dim3A_196 : i32 to vector<16xi32>
    %lt3A_198 = arith.cmpi slt, %broadcast_in_dim3A_197, %add3A_152 : vector<16xi32>
    %select_n3A_199 = arith.select %lt3A_198, %broadcast_in_dim3A_3, %broadcast_in_dim3A_1 : vector<16xi1>, vector<16xi32>
    %mul3A_200 = arith.muli %get3A_194, %select_n3A_199 : vector<16xi32>
    %add3A_201 = arith.addi %add3A_191, %mul3A_200 : vector<16xi32>
    %get3A_202 = arith.constant 80 : index
    %get3A_203 = tpu.vector_load %arg14[%get3A_202] {strides = array<i32>} : memref<256xi32, #tpu.memory_space<vmem>>, vector<16xi32>,
    %get3A_204 = vector.shape_cast %get3A_203 : vector<16xi32> to vector<16xi32>
    %add3A_205 = arith.addi %add3A_195, %get3A_204 : vector<16xi32>
    %broadcast_in_dim3A_206 = arith.constant 5 : i32
    %broadcast_in_dim3A_207 = vector.broadcast %broadcast_in_dim3A_206 : i32 to vector<16xi32>
    %lt3A_208 = arith.cmpi slt, %broadcast_in_dim3A_207, %add3A_152 : vector<16xi32>
    %select_n3A_209 = arith.select %lt3A_208, %broadcast_in_dim3A_3, %broadcast_in_dim3A_1 : vector<16xi1>, vector<16xi32>
    %mul3A_210 = arith.muli %get3A_204, %select_n3A_209 : vector<16xi32>
    %add3A_211 = arith.addi %add3A_201, %mul3A_210 : vector<16xi32>
    %get3A_212 = arith.constant 96 : index
    %get3A_213 = tpu.vector_load %arg14[%get3A_212] {strides = array<i32>} : memref<256xi32, #tpu.memory_space<vmem>>, vector<16xi32>,
    %get3A_214 = vector.shape_cast %get3A_213 : vector<16xi32> to vector<16xi32>
    %add3A_215 = arith.addi %add3A_205, %get3A_214 : vector<16xi32>
    %broadcast_in_dim3A_216 = arith.constant 6 : i32
    %broadcast_in_dim3A_217 = vector.broadcast %broadcast_in_dim3A_216 : i32 to vector<16xi32>
    %lt3A_218 = arith.cmpi slt, %broadcast_in_dim3A_217, %add3A_152 : vector<16xi32>
    %select_n3A_219 = arith.select %lt3A_218, %broadcast_in_dim3A_3, %broadcast_in_dim3A_1 : vector<16xi1>, vector<16xi32>
    %mul3A_220 = arith.muli %get3A_214, %select_n3A_219 : vector<16xi32>
    %add3A_221 = arith.addi %add3A_211, %mul3A_220 : vector<16xi32>
    %get3A_222 = arith.constant 112 : index
    %get3A_223 = tpu.vector_load %arg14[%get3A_222] {strides = array<i32>} : memref<256xi32, #tpu.memory_space<vmem>>, vector<16xi32>,
    %get3A_224 = vector.shape_cast %get3A_223 : vector<16xi32> to vector<16xi32>
    %add3A_225 = arith.addi %add3A_215, %get3A_224 : vector<16xi32>
    %broadcast_in_dim3A_226 = arith.constant 7 : i32
    %broadcast_in_dim3A_227 = vector.broadcast %broadcast_in_dim3A_226 : i32 to vector<16xi32>
    %lt3A_228 = arith.cmpi slt, %broadcast_in_dim3A_227, %add3A_152 : vector<16xi32>
    %select_n3A_229 = arith.select %lt3A_228, %broadcast_in_dim3A_3, %broadcast_in_dim3A_1 : vector<16xi1>, vector<16xi32>
    %mul3A_230 = arith.muli %get3A_224, %select_n3A_229 : vector<16xi32>
    %add3A_231 = arith.addi %add3A_221, %mul3A_230 : vector<16xi32>
    %get3A_232 = arith.constant 128 : index
    %get3A_233 = tpu.vector_load %arg14[%get3A_232] {strides = array<i32>} : memref<256xi32, #tpu.memory_space<vmem>>, vector<16xi32>,
    %get3A_234 = vector.shape_cast %get3A_233 : vector<16xi32> to vector<16xi32>
    %add3A_235 = arith.addi %add3A_225, %get3A_234 : vector<16xi32>
    %broadcast_in_dim3A_236 = arith.constant 8 : i32
    %broadcast_in_dim3A_237 = vector.broadcast %broadcast_in_dim3A_236 : i32 to vector<16xi32>
    %lt3A_238 = arith.cmpi slt, %broadcast_in_dim3A_237, %add3A_152 : vector<16xi32>
    %select_n3A_239 = arith.select %lt3A_238, %broadcast_in_dim3A_3, %broadcast_in_dim3A_1 : vector<16xi1>, vector<16xi32>
    %mul3A_240 = arith.muli %get3A_234, %select_n3A_239 : vector<16xi32>
    %add3A_241 = arith.addi %add3A_231, %mul3A_240 : vector<16xi32>
    %get3A_242 = arith.constant 144 : index
    %get3A_243 = tpu.vector_load %arg14[%get3A_242] {strides = array<i32>} : memref<256xi32, #tpu.memory_space<vmem>>, vector<16xi32>,
    %get3A_244 = vector.shape_cast %get3A_243 : vector<16xi32> to vector<16xi32>
    %add3A_245 = arith.addi %add3A_235, %get3A_244 : vector<16xi32>
    %broadcast_in_dim3A_246 = arith.constant 9 : i32
    %broadcast_in_dim3A_247 = vector.broadcast %broadcast_in_dim3A_246 : i32 to vector<16xi32>
    %lt3A_248 = arith.cmpi slt, %broadcast_in_dim3A_247, %add3A_152 : vector<16xi32>
    %select_n3A_249 = arith.select %lt3A_248, %broadcast_in_dim3A_3, %broadcast_in_dim3A_1 : vector<16xi1>, vector<16xi32>
    %mul3A_250 = arith.muli %get3A_244, %select_n3A_249 : vector<16xi32>
    %add3A_251 = arith.addi %add3A_241, %mul3A_250 : vector<16xi32>
    %get3A_252 = arith.constant 160 : index
    %get3A_253 = tpu.vector_load %arg14[%get3A_252] {strides = array<i32>} : memref<256xi32, #tpu.memory_space<vmem>>, vector<16xi32>,
    %get3A_254 = vector.shape_cast %get3A_253 : vector<16xi32> to vector<16xi32>
    %add3A_255 = arith.addi %add3A_245, %get3A_254 : vector<16xi32>
    %broadcast_in_dim3A_256 = arith.constant 10 : i32
    %broadcast_in_dim3A_257 = vector.broadcast %broadcast_in_dim3A_256 : i32 to vector<16xi32>
    %lt3A_258 = arith.cmpi slt, %broadcast_in_dim3A_257, %add3A_152 : vector<16xi32>
    %select_n3A_259 = arith.select %lt3A_258, %broadcast_in_dim3A_3, %broadcast_in_dim3A_1 : vector<16xi1>, vector<16xi32>
    %mul3A_260 = arith.muli %get3A_254, %select_n3A_259 : vector<16xi32>
    %add3A_261 = arith.addi %add3A_251, %mul3A_260 : vector<16xi32>
    %get3A_262 = arith.constant 176 : index
    %get3A_263 = tpu.vector_load %arg14[%get3A_262] {strides = array<i32>} : memref<256xi32, #tpu.memory_space<vmem>>, vector<16xi32>,
    %get3A_264 = vector.shape_cast %get3A_263 : vector<16xi32> to vector<16xi32>
    %add3A_265 = arith.addi %add3A_255, %get3A_264 : vector<16xi32>
    %broadcast_in_dim3A_266 = arith.constant 11 : i32
    %broadcast_in_dim3A_267 = vector.broadcast %broadcast_in_dim3A_266 : i32 to vector<16xi32>
    %lt3A_268 = arith.cmpi slt, %broadcast_in_dim3A_267, %add3A_152 : vector<16xi32>
    %select_n3A_269 = arith.select %lt3A_268, %broadcast_in_dim3A_3, %broadcast_in_dim3A_1 : vector<16xi1>, vector<16xi32>
    %mul3A_270 = arith.muli %get3A_264, %select_n3A_269 : vector<16xi32>
    %add3A_271 = arith.addi %add3A_261, %mul3A_270 : vector<16xi32>
    %get3A_272 = arith.constant 192 : index
    %get3A_273 = tpu.vector_load %arg14[%get3A_272] {strides = array<i32>} : memref<256xi32, #tpu.memory_space<vmem>>, vector<16xi32>,
    %get3A_274 = vector.shape_cast %get3A_273 : vector<16xi32> to vector<16xi32>
    %add3A_275 = arith.addi %add3A_265, %get3A_274 : vector<16xi32>
    %broadcast_in_dim3A_276 = arith.constant 12 : i32
    %broadcast_in_dim3A_277 = vector.broadcast %broadcast_in_dim3A_276 : i32 to vector<16xi32>
    %lt3A_278 = arith.cmpi slt, %broadcast_in_dim3A_277, %add3A_152 : vector<16xi32>
    %select_n3A_279 = arith.select %lt3A_278, %broadcast_in_dim3A_3, %broadcast_in_dim3A_1 : vector<16xi1>, vector<16xi32>
    %mul3A_280 = arith.muli %get3A_274, %select_n3A_279 : vector<16xi32>
    %add3A_281 = arith.addi %add3A_271, %mul3A_280 : vector<16xi32>
    %get3A_282 = arith.constant 208 : index
    %get3A_283 = tpu.vector_load %arg14[%get3A_282] {strides = array<i32>} : memref<256xi32, #tpu.memory_space<vmem>>, vector<16xi32>,
    %get3A_284 = vector.shape_cast %get3A_283 : vector<16xi32> to vector<16xi32>
    %add3A_285 = arith.addi %add3A_275, %get3A_284 : vector<16xi32>
    %broadcast_in_dim3A_286 = arith.constant 13 : i32
    %broadcast_in_dim3A_287 = vector.broadcast %broadcast_in_dim3A_286 : i32 to vector<16xi32>
    %lt3A_288 = arith.cmpi slt, %broadcast_in_dim3A_287, %add3A_152 : vector<16xi32>
    %select_n3A_289 = arith.select %lt3A_288, %broadcast_in_dim3A_3, %broadcast_in_dim3A_1 : vector<16xi1>, vector<16xi32>
    %mul3A_290 = arith.muli %get3A_284, %select_n3A_289 : vector<16xi32>
    %add3A_291 = arith.addi %add3A_281, %mul3A_290 : vector<16xi32>
    %get3A_292 = arith.constant 224 : index
    %get3A_293 = tpu.vector_load %arg14[%get3A_292] {strides = array<i32>} : memref<256xi32, #tpu.memory_space<vmem>>, vector<16xi32>,
    %get3A_294 = vector.shape_cast %get3A_293 : vector<16xi32> to vector<16xi32>
    %add3A_295 = arith.addi %add3A_285, %get3A_294 : vector<16xi32>
    %broadcast_in_dim3A_296 = arith.constant 14 : i32
    %broadcast_in_dim3A_297 = vector.broadcast %broadcast_in_dim3A_296 : i32 to vector<16xi32>
    %lt3A_298 = arith.cmpi slt, %broadcast_in_dim3A_297, %add3A_152 : vector<16xi32>
    %select_n3A_299 = arith.select %lt3A_298, %broadcast_in_dim3A_3, %broadcast_in_dim3A_1 : vector<16xi1>, vector<16xi32>
    %mul3A_300 = arith.muli %get3A_294, %select_n3A_299 : vector<16xi32>
    %add3A_301 = arith.addi %add3A_291, %mul3A_300 : vector<16xi32>
    %get3A_302 = arith.constant 240 : index
    %get3A_303 = tpu.vector_load %arg14[%get3A_302] {strides = array<i32>} : memref<256xi32, #tpu.memory_space<vmem>>, vector<16xi32>,
    %get3A_304 = vector.shape_cast %get3A_303 : vector<16xi32> to vector<16xi32>
    %add3A_305 = arith.addi %add3A_295, %get3A_304 : vector<16xi32>
    %broadcast_in_dim3A_306 = arith.constant 15 : i32
    %broadcast_in_dim3A_307 = vector.broadcast %broadcast_in_dim3A_306 : i32 to vector<16xi32>
    %lt3A_308 = arith.cmpi slt, %broadcast_in_dim3A_307, %add3A_152 : vector<16xi32>
    %select_n3A_309 = arith.select %lt3A_308, %broadcast_in_dim3A_3, %broadcast_in_dim3A_1 : vector<16xi1>, vector<16xi32>
    %mul3A_310 = arith.muli %get3A_304, %select_n3A_309 : vector<16xi32>
    %add3A_311 = arith.addi %add3A_301, %mul3A_310 : vector<16xi32>
    %sub3A = arith.constant 1 : i32
    %sub3A_312 = vector.broadcast %sub3A : i32 to vector<16xi32>
    %sub3A_313 = arith.subi %iota3A, %sub3A_312 : vector<16xi32>
    %max3A = arith.constant 0 : i32
    %max3A_314 = vector.broadcast %max3A : i32 to vector<16xi32>
    %max3A_315 = arith.maxsi %sub3A_313, %max3A_314 : vector<16xi32>
    %broadcast_in_dim3A_316 = vector.shape_cast %max3A_315 : vector<16xi32> to vector<16x1xi32>
    %gather3A = vector.shape_cast %broadcast_in_dim3A_316 : vector<16x1xi32> to vector<16xi32>
    %gather3A_317 = tpu.dynamic_gather %add3A_305[%gather3A] in [0] : vector<16xi32>, vector<16xi32> -> vector<16xi32>
    %ge3A = arith.constant 1 : i32
    %ge3A_318 = vector.broadcast %ge3A : i32 to vector<16xi32>
    %ge3A_319 = arith.cmpi sge, %iota3A, %ge3A_318 : vector<16xi32>
    %select_n3A_320 = arith.select %ge3A_319, %broadcast_in_dim3A_3, %broadcast_in_dim3A_1 : vector<16xi1>, vector<16xi32>
    %mul3A_321 = arith.muli %gather3A_317, %select_n3A_320 : vector<16xi32>
    %add3A_322 = arith.addi %add3A_305, %mul3A_321 : vector<16xi32>
    %sub3A_323 = arith.constant 2 : i32
    %sub3A_324 = vector.broadcast %sub3A_323 : i32 to vector<16xi32>
    %sub3A_325 = arith.subi %iota3A, %sub3A_324 : vector<16xi32>
    %max3A_326 = arith.constant 0 : i32
    %max3A_327 = vector.broadcast %max3A_326 : i32 to vector<16xi32>
    %max3A_328 = arith.maxsi %sub3A_325, %max3A_327 : vector<16xi32>
    %broadcast_in_dim3A_329 = vector.shape_cast %max3A_328 : vector<16xi32> to vector<16x1xi32>
    %gather3A_330 = vector.shape_cast %broadcast_in_dim3A_329 : vector<16x1xi32> to vector<16xi32>
    %gather3A_331 = tpu.dynamic_gather %add3A_322[%gather3A_330] in [0] : vector<16xi32>, vector<16xi32> -> vector<16xi32>
    %ge3A_332 = arith.constant 2 : i32
    %ge3A_333 = vector.broadcast %ge3A_332 : i32 to vector<16xi32>
    %ge3A_334 = arith.cmpi sge, %iota3A, %ge3A_333 : vector<16xi32>
    %select_n3A_335 = arith.select %ge3A_334, %broadcast_in_dim3A_3, %broadcast_in_dim3A_1 : vector<16xi1>, vector<16xi32>
    %mul3A_336 = arith.muli %gather3A_331, %select_n3A_335 : vector<16xi32>
    %add3A_337 = arith.addi %add3A_322, %mul3A_336 : vector<16xi32>
    %sub3A_338 = arith.constant 4 : i32
    %sub3A_339 = vector.broadcast %sub3A_338 : i32 to vector<16xi32>
    %sub3A_340 = arith.subi %iota3A, %sub3A_339 : vector<16xi32>
    %max3A_341 = arith.constant 0 : i32
    %max3A_342 = vector.broadcast %max3A_341 : i32 to vector<16xi32>
    %max3A_343 = arith.maxsi %sub3A_340, %max3A_342 : vector<16xi32>
    %broadcast_in_dim3A_344 = vector.shape_cast %max3A_343 : vector<16xi32> to vector<16x1xi32>
    %gather3A_345 = vector.shape_cast %broadcast_in_dim3A_344 : vector<16x1xi32> to vector<16xi32>
    %gather3A_346 = tpu.dynamic_gather %add3A_337[%gather3A_345] in [0] : vector<16xi32>, vector<16xi32> -> vector<16xi32>
    %ge3A_347 = arith.constant 4 : i32
    %ge3A_348 = vector.broadcast %ge3A_347 : i32 to vector<16xi32>
    %ge3A_349 = arith.cmpi sge, %iota3A, %ge3A_348 : vector<16xi32>
    %select_n3A_350 = arith.select %ge3A_349, %broadcast_in_dim3A_3, %broadcast_in_dim3A_1 : vector<16xi1>, vector<16xi32>
    %mul3A_351 = arith.muli %gather3A_346, %select_n3A_350 : vector<16xi32>
    %add3A_352 = arith.addi %add3A_337, %mul3A_351 : vector<16xi32>
    %sub3A_353 = arith.constant 8 : i32
    %sub3A_354 = vector.broadcast %sub3A_353 : i32 to vector<16xi32>
    %sub3A_355 = arith.subi %iota3A, %sub3A_354 : vector<16xi32>
    %max3A_356 = arith.constant 0 : i32
    %max3A_357 = vector.broadcast %max3A_356 : i32 to vector<16xi32>
    %max3A_358 = arith.maxsi %sub3A_355, %max3A_357 : vector<16xi32>
    %broadcast_in_dim3A_359 = vector.shape_cast %max3A_358 : vector<16xi32> to vector<16x1xi32>
    %gather3A_360 = vector.shape_cast %broadcast_in_dim3A_359 : vector<16x1xi32> to vector<16xi32>
    %gather3A_361 = tpu.dynamic_gather %add3A_352[%gather3A_360] in [0] : vector<16xi32>, vector<16xi32> -> vector<16xi32>
    %ge3A_362 = arith.constant 8 : i32
    %ge3A_363 = vector.broadcast %ge3A_362 : i32 to vector<16xi32>
    %ge3A_364 = arith.cmpi sge, %iota3A, %ge3A_363 : vector<16xi32>
    %select_n3A_365 = arith.select %ge3A_364, %broadcast_in_dim3A_3, %broadcast_in_dim3A_1 : vector<16xi1>, vector<16xi32>
    %mul3A_366 = arith.muli %gather3A_361, %select_n3A_365 : vector<16xi32>
    %add3A_367 = arith.addi %add3A_352, %mul3A_366 : vector<16xi32>
    %sub3A_368 = arith.subi %add3A_367, %add3A_305 : vector<16xi32>
    %add3A_369 = arith.addi %sub3A_368, %add3A_311 : vector<16xi32>
    %eq3A = arith.constant 0 : i32
    %eq3A_370 = arith.cmpi eq, %arg1, %eq3A : i32
    %convert_element_type3A = arith.extui %eq3A_370 : i1 to i32
    %cond3A = arith.constant 0 : i32
    %cond3A_371 = arith.cmpi ne, %convert_element_type3A, %cond3A : i32
    scf.if %cond3A_371 {
      %swap3A_396 = arith.constant 0 : index
      %swap3A_397 = tpu.vector_load %arg13[%swap3A_396] {strides = array<i32>} : memref<16xi32, #tpu.memory_space<vmem>>, vector<16xi32>,
      %swap3A_398 = vector.shape_cast %swap3A_397 : vector<16xi32> to vector<16xi32>
      %swap3A_399 = vector.shape_cast %add3A_305 : vector<16xi32> to vector<16xi32>
      tpu.vector_store %arg13[%swap3A_396], %swap3A_399 {strides = array<i32>} : memref<16xi32, #tpu.memory_space<vmem>>, vector<16xi32>,
      "tpu.region"() ({
        %run_scoped3A = tpu.sem_alloc : memref<!tpu.dma_semaphore, #tpu.memory_space<semaphore_mem>>
        tpu.enqueue_dma source(%arg13 : memref<16xi32, #tpu.memory_space<vmem>>) target(%arg5 : memref<16xi32, #tpu.memory_space<hbm>>) target_semaphore(%run_scoped3A : memref<!tpu.dma_semaphore, #tpu.memory_space<semaphore_mem>>)
        tpu.wait_dma2 semaphore(%run_scoped3A : memref<!tpu.dma_semaphore, #tpu.memory_space<semaphore_mem>>) src(%arg13 : memref<16xi32, #tpu.memory_space<vmem>>) dst(%arg5 : memref<16xi32, #tpu.memory_space<hbm>>)
        tpu.yield
      }) : () -> ()
    } else {
    }
    %scan3A_372 = arith.constant 0 : i32
    %scan3A_373 = arith.constant 0 : i32
    %scan3A_374 = arith.constant 8 : i32
    %scan3A_375 = arith.addi %scan3A_373, %scan3A_374 : i32
    %scan3A_376 = arith.constant 1 : i32
    %scan3A_377 = scf.for %scan3A_396 = %scan3A_373 to %scan3A_375 step %scan3A_376 iter_args(%scan3A_397 = %scan3A_372) -> (i32)  : i32 {
      %add3A_398 = arith.constant 0 : i32
      %add3A_399 = arith.addi %scan3A_396, %add3A_398 : i32
      %mul3A_400 = arith.constant 16 : i32
      %mul3A_401 = arith.muli %add3A_399, %mul3A_400 : i32
      %get3A_402 = arith.index_cast %mul3A_401 : i32 to index
      %get3A_403 = tpu.vector_load %arg7[%get3A_402] {strides = array<i32>} : memref<256xi32, #tpu.memory_space<vmem>>, vector<16xi32>,
      %get3A_404 = vector.shape_cast %get3A_403 : vector<16xi32> to vector<16xi32>
      %mul3A_405 = arith.constant 16 : i32
      %mul3A_406 = arith.muli %add3A_399, %mul3A_405 : i32
      %get3A_407 = arith.index_cast %mul3A_406 : i32 to index
      %get3A_408 = tpu.vector_load %arg8[%get3A_407] {strides = array<i32>} : memref<256xi32, #tpu.memory_space<vmem>>, vector<16xi32>,
      %get3A_409 = vector.shape_cast %get3A_408 : vector<16xi32> to vector<16xi32>
      %broadcast_in_dim3A_410 = vector.shape_cast %get3A_404 : vector<16xi32> to vector<16x1xi32>
      %gather3A_411 = vector.shape_cast %broadcast_in_dim3A_410 : vector<16x1xi32> to vector<16xi32>
      %gather3A_412 = tpu.dynamic_gather %add3A_369[%gather3A_411] in [0] : vector<16xi32>, vector<16xi32> -> vector<16xi32>
      %add3A_413 = arith.addi %get3A_409, %gather3A_412 : vector<16xi32>
      %mul3A_414 = arith.constant 16 : i32
      %mul3A_415 = arith.muli %scan3A_396, %mul3A_414 : i32
      %swap3A_416 = arith.index_cast %mul3A_415 : i32 to index
      %swap3A_417 = tpu.vector_load %arg11[%swap3A_416] {strides = array<i32>} : memref<128xi32, #tpu.memory_space<vmem>>, vector<16xi32>,
      %swap3A_418 = vector.shape_cast %swap3A_417 : vector<16xi32> to vector<16xi32>
      %swap3A_419 = vector.shape_cast %add3A_413 : vector<16xi32> to vector<16xi32>
      tpu.vector_store %arg11[%swap3A_416], %swap3A_419 {strides = array<i32>} : memref<128xi32, #tpu.memory_space<vmem>>, vector<16xi32>,
      %scan3A_420 = arith.constant 0 : i32
      scf.yield %scan3A_420 : i32
    }
    %scan3A_378 = arith.constant 8 : i32
    %scan3A_379 = arith.constant 0 : i32
    %scan3A_380 = arith.constant 0 : i32
    %scan3A_381 = arith.constant 8 : i32
    %scan3A_382 = arith.addi %scan3A_380, %scan3A_381 : i32
    %scan3A_383 = arith.constant 1 : i32
    %scan3A_384 = scf.for %scan3A_396 = %scan3A_380 to %scan3A_382 step %scan3A_383 iter_args(%scan3A_397 = %scan3A_379) -> (i32)  : i32 {
      %add3A_398 = arith.constant 8 : i32
      %add3A_399 = arith.addi %scan3A_396, %add3A_398 : i32
      %mul3A_400 = arith.constant 16 : i32
      %mul3A_401 = arith.muli %add3A_399, %mul3A_400 : i32
      %get3A_402 = arith.index_cast %mul3A_401 : i32 to index
      %get3A_403 = tpu.vector_load %arg7[%get3A_402] {strides = array<i32>} : memref<256xi32, #tpu.memory_space<vmem>>, vector<16xi32>,
      %get3A_404 = vector.shape_cast %get3A_403 : vector<16xi32> to vector<16xi32>
      %mul3A_405 = arith.constant 16 : i32
      %mul3A_406 = arith.muli %add3A_399, %mul3A_405 : i32
      %get3A_407 = arith.index_cast %mul3A_406 : i32 to index
      %get3A_408 = tpu.vector_load %arg8[%get3A_407] {strides = array<i32>} : memref<256xi32, #tpu.memory_space<vmem>>, vector<16xi32>,
      %get3A_409 = vector.shape_cast %get3A_408 : vector<16xi32> to vector<16xi32>
      %broadcast_in_dim3A_410 = vector.shape_cast %get3A_404 : vector<16xi32> to vector<16x1xi32>
      %gather3A_411 = vector.shape_cast %broadcast_in_dim3A_410 : vector<16x1xi32> to vector<16xi32>
      %gather3A_412 = tpu.dynamic_gather %add3A_369[%gather3A_411] in [0] : vector<16xi32>, vector<16xi32> -> vector<16xi32>
      %add3A_413 = arith.addi %get3A_409, %gather3A_412 : vector<16xi32>
      %mul3A_414 = arith.constant 16 : i32
      %mul3A_415 = arith.muli %scan3A_396, %mul3A_414 : i32
      %swap3A_416 = arith.index_cast %mul3A_415 : i32 to index
      %swap3A_417 = tpu.vector_load %arg12[%swap3A_416] {strides = array<i32>} : memref<128xi32, #tpu.memory_space<vmem>>, vector<16xi32>,
      %swap3A_418 = vector.shape_cast %swap3A_417 : vector<16xi32> to vector<16xi32>
      %swap3A_419 = vector.shape_cast %add3A_413 : vector<16xi32> to vector<16xi32>
      tpu.vector_store %arg12[%swap3A_416], %swap3A_419 {strides = array<i32>} : memref<128xi32, #tpu.memory_space<vmem>>, vector<16xi32>,
      %scan3A_420 = arith.constant 0 : i32
      scf.yield %scan3A_420 : i32
    }
    %scan3A_385 = arith.constant 8 : i32
    %dma_start3A_386 = arith.constant 0 : i32
    %dma_start3A_387 = tpu.memref_slice %arg16[%dma_start3A_386] : memref<4096xi32, #tpu.memory_space<vmem_shared>> -> memref<4096xi32, #tpu.memory_space<vmem_shared>>
    tpu.enqueue_indirect_dma source(%arg9 : memref<128xi32, #tpu.memory_space<vmem>>) target(%dma_start3A_387 : memref<4096xi32, #tpu.memory_space<vmem_shared>>) offsets(%arg11 : memref<128xi32, #tpu.memory_space<vmem>>) semaphore(%arg17 : memref<!tpu.dma_semaphore, #tpu.memory_space<semaphore_mem>>)
    %dma_start3A_388 = arith.constant 0 : i32
    %dma_start3A_389 = tpu.memref_slice %arg16[%dma_start3A_388] : memref<4096xi32, #tpu.memory_space<vmem_shared>> -> memref<4096xi32, #tpu.memory_space<vmem_shared>>
    tpu.enqueue_indirect_dma source(%arg10 : memref<128xi32, #tpu.memory_space<vmem>>) target(%dma_start3A_389 : memref<4096xi32, #tpu.memory_space<vmem_shared>>) offsets(%arg12 : memref<128xi32, #tpu.memory_space<vmem>>) semaphore(%arg17 : memref<!tpu.dma_semaphore, #tpu.memory_space<semaphore_mem>>)
    %dma_wait3A = tpu.memref_slice %arg3[%mul3A_0] : memref<4096xi32, #tpu.memory_space<hbm>> -> memref<256xi32, #tpu.memory_space<hbm>>
    %dma_wait3A_390 = tpu.memref_slice %arg3[%mul3A_0] : memref<4096xi32, #tpu.memory_space<hbm>> -> memref<256xi32, #tpu.memory_space<hbm>>
    tpu.wait_dma2 semaphore(%arg17 : memref<!tpu.dma_semaphore, #tpu.memory_space<semaphore_mem>>) src(%arg7 : memref<256xi32, #tpu.memory_space<vmem>>) dst(%dma_wait3A_390 : memref<256xi32, #tpu.memory_space<hbm>>)
    %dma_wait3A_391 = arith.constant 0 : i32
    %dma_wait3A_392 = tpu.memref_slice %arg16[%dma_wait3A_391] : memref<4096xi32, #tpu.memory_space<vmem_shared>> -> memref<4096xi32, #tpu.memory_space<vmem_shared>>
    tpu.wait_indirect_dma semaphore(%arg17 : memref<!tpu.dma_semaphore, #tpu.memory_space<semaphore_mem>>) src(%arg9 : memref<128xi32, #tpu.memory_space<vmem>>) dst(%dma_wait3A_392 : memref<4096xi32, #tpu.memory_space<vmem_shared>>)
    %dma_wait3A_393 = arith.constant 0 : i32
    %dma_wait3A_394 = tpu.memref_slice %arg16[%dma_wait3A_393] : memref<4096xi32, #tpu.memory_space<vmem_shared>> -> memref<4096xi32, #tpu.memory_space<vmem_shared>>
    tpu.wait_indirect_dma semaphore(%arg17 : memref<!tpu.dma_semaphore, #tpu.memory_space<semaphore_mem>>) src(%arg10 : memref<128xi32, #tpu.memory_space<vmem>>) dst(%dma_wait3A_394 : memref<4096xi32, #tpu.memory_space<vmem_shared>>)
    %barrier3A_395 = arith.constant 0 : index
    tpu.barrier barrier_id(%barrier3A_395)
    "tpu.region"() ({
      %run_scoped3A = tpu.sem_alloc : memref<!tpu.dma_semaphore, #tpu.memory_space<semaphore_mem>>
      %dma_start3A_396 = tpu.memref_slice %arg4[%mul3A_0] : memref<4096xi32, #tpu.memory_space<hbm>> -> memref<256xi32, #tpu.memory_space<hbm>>
      %dma_start3A_397 = tpu.memref_slice %arg16[%mul3A_0] : memref<4096xi32, #tpu.memory_space<vmem_shared>> -> memref<256xi32, #tpu.memory_space<vmem_shared>>
      tpu.enqueue_dma source(%dma_start3A_397 : memref<256xi32, #tpu.memory_space<vmem_shared>>) target(%dma_start3A_396 : memref<256xi32, #tpu.memory_space<hbm>>) target_semaphore(%run_scoped3A : memref<!tpu.dma_semaphore, #tpu.memory_space<semaphore_mem>>)
      %dma_wait3A_398 = tpu.memref_slice %arg4[%mul3A_0] : memref<4096xi32, #tpu.memory_space<hbm>> -> memref<256xi32, #tpu.memory_space<hbm>>
      %dma_wait3A_399 = tpu.memref_slice %arg16[%mul3A_0] : memref<4096xi32, #tpu.memory_space<vmem_shared>> -> memref<256xi32, #tpu.memory_space<vmem_shared>>
      tpu.wait_dma2 semaphore(%run_scoped3A : memref<!tpu.dma_semaphore, #tpu.memory_space<semaphore_mem>>) src(%dma_wait3A_399 : memref<256xi32, #tpu.memory_space<vmem_shared>>) dst(%dma_wait3A_398 : memref<256xi32, #tpu.memory_space<hbm>>)
      tpu.yield
    }) : () -> ()
    return
  }
}

</mosaic_0001>

<sc_bundles>
// kernel: kernel.3.cloned.1.call-start
scs
__scs_entry_jumppad:
0x0: {  	(pc) =	sbr.rel $0x88, $3  }
0x1: {  	(tag) =	ssettag $0x0;
	lr =	simm.s32 $0x1  }
0x2: {  	[smem:$0x3FA0] =	sst lr;
	_ =	strace $0xD0000000  }
0x3: {  	_ = 	snop  }
0x4: {  	_ = 	snop  }
0x5: {  	_ = 	snop  }
0x6: {  	_ = 	snop  }
0x7: {  	_ = 	snop  }
__scs_overlays_trampoline_lowered:
0x8: {  	[smem:$0x3FAF] =	sst s0  }
0x9: {  	[smem:$0x3FB0] =	sst s1  }
0xa: {  	[smem:$0x3FB1] =	sst s2  }
0xb: {  	[smem:$0x3FB2] =	sst s3  }
0xc: {  	[smem:$0x3FB3] =	sst s4  }
0xd: {  	[smem:$0x3FB4] =	sst s5  }
0xe: {  	[smem:$0x3FB5] =	sst s6  }
0xf: {  	[smem:$0x3FB6] =	sst s7  }
0x10: {  	[smem:$0x3FB7] =	sst s8  }
0x11: {  	[smem:$0x3FB8] =	sst s9;
	s0 =	simm.s32 @!p0 $0x0  }
0x12: {  	s1 =	sld [smem:$0x3F9E];
	s0 =	simm.s32 @p0 $0x1  }
0x13: {  	[smem:$0x3FB9] =	sst s0;
	s0 =	simm.s32 @!p1 $0x0  }
0x14: {  	s2 =	sld [smem:$0x3F9D];
	s0 =	simm.s32 @p1 $0x1  }
0x15: {  	[smem:$0x3FBA] =	sst s0;
	s0 =	simm.s32 @!p2 $0x0  }
0x16: {  	s3 =	sld [smem:$0x3FDB];
	s0 =	simm.s32 @p2 $0x1  }
0x17: {  	s4 =	simm.s32 $0x1BF5;
	[smem:$0x3FBC] =	sst s0  }
0x18: {  	s0 =	sld [smem:$0x3F9F];
	_ =	swait.ge [sflag:s4], $0x0  }
0x19: {  	s7 =	sld [smem:$0x3FA0]  }
0x1a: {  	s8 =	sadd.s32 $0xFFFFE003, lr  }
0x1b: {  	s9 =	sadd.s32 $0xFFFFFEF7, lr;
	s5 =	simm.s32 $0xFFFFFFFF;
	p2 =	slt.u32 s8, $0xFFFFF086  }
0x1c: {  	p1 =	slt.u32 s9, $0xF7A;
	s5 =	simm.s32 @!p2 $0x0  }
0x1d: {  	s5 =	simm.s32 @p1 $0x1;
	p0 =	seq.s32 s7, s2  }
0x1e: {  	s7 =	smul.u32 @!p0 $0xF7A, s2;
	p2 =	seq.s32 @!p0 s5, $0x0  }
0x1f: {  	s9 =	smul.u32 $0xF7A, s1;
	s8 =	simm.s32 @!p0 $0x1BF5;
	p2 =	por !p2, p0  }
0x20: {  	[sflag:s8] =	ssyncset.s32 @!p0 $0xFFFFF086;
	s6 =	sadd.s32 @!p0 s3, s7;
	s7 =	simm.s32 @!p0 $0x108  }
0x21: {  	s3 =	sadd.s32 s3, s9;
	s6 =	sadd.s32 @!p0 $0x88, s6;
	s7 =	simm.s32 @p2 $0x1082  }
0x22: {  	[simem:s7], [sflag:s8] =	dma.local @!p0 [hbm:s6], $0xF7A  }
0x23: {  	s9 =	sor.u32 $0xD0000000, s2;
	s6 =	simm.s32 $0x108;
	_ =	swait.ge @!p0 [sflag:s8], $0x0  }
0x24: {  	s3 =	sadd.s32 $0x88, s3;
	s6 =	simm.s32 @!p1 $0x1082;
	[sflag:s4] =	ssyncset.s32 $0xFFFFF086  }
0x25: {  	[simem:s6], [sflag:s4] =	dma.local [hbm:s3], $0xF7A  }
0x26: {  	[smem:$0x3FA0] =	sst s1;
	(tag) =	ssettag s2;
	_ =	strace s9  }
0x27: {  	s1 =	sld [smem:$0x3FB0]  }
0x28: {  	s2 =	sld [smem:$0x3FB1]  }
0x29: {  	s4 =	sld [smem:$0x3FB3]  }
0x2a: {  	p0 =	seq.s32 s5, $0x0;
	s5 =	sld [smem:$0x3FB4]  }
0x2b: {  	s6 =	sld [smem:$0x3FB5]  }
0x2c: {  	s7 =	sld [smem:$0x3FB6]  }
0x2d: {  	s3 =	simm.s32 $0x108;
	s8 =	sld [smem:$0x3FB7]  }
0x2e: {  	s3 =	simm.s32 @!p0 $0x1082;
	s9 =	sld [smem:$0x3FB8]  }
0x2f: {  	lr =	sadd.s32 s0, s3;
	s0 =	sld [smem:$0x3FAF]  }
0x30: {  	s3 =	sld [smem:$0x3FB2]  }
0x31: {  	[smem:$0x3FBB] =	sst s10  }
0x32: {  	s10 =	sld [smem:$0x3FB9];
	_ =	sdelay $0x3  }
0x33: {  	p0 =	seq.s32 s10, $0x1;
	s10 =	sld [smem:$0x3FBB];
	_ =	sdelay $0x3  }
0x34: {  	[smem:$0x3FBB] =	sst s10  }
0x35: {  	s10 =	sld [smem:$0x3FBA];
	_ =	sdelay $0x3  }
0x36: {  	p1 =	seq.s32 s10, $0x1;
	s10 =	sld [smem:$0x3FBB];
	_ =	sdelay $0x3  }
0x37: {  	[smem:$0x3FBB] =	sst s10  }
0x38: {  	s10 =	sld [smem:$0x3FBC]  }
0x39: {  	_ = 	snop;
	(pc) =	sbr.ind lr, $3  }
0x3a: {  	_ = 	snop  }
0x3b: {  	_ = 	snop  }
0x3c: {  	p2 =	seq.s32 s10, $0x1;
	s10 =	sld [smem:$0x3FBB]  }
0x3d: {  	_ =	shalt  }
0x3e: {  	_ =	shalt  }
0x3f: {  	_ =	shalt  }
0x40: {  	_ =	shalt  }
0x41: {  	_ =	shalt  }
0x42: {  	_ =	shalt  }
0x43: {  	_ =	shalt  }
0x44: {  	_ =	shalt  }
0x45: {  	_ =	shalt  }
0x46: {  	_ =	shalt  }
0x47: {  	_ =	shalt  }
0x48: {  	_ =	shalt  }
0x49: {  	_ =	shalt  }
0x4a: {  	_ =	shalt  }
0x4b: {  	_ =	shalt  }
0x4c: {  	_ =	shalt  }
0x4d: {  	_ =	shalt  }
0x4e: {  	_ =	shalt  }
0x4f: {  	_ =	shalt  }
0x50: {  	_ =	shalt  }
0x51: {  	_ =	shalt  }
0x52: {  	_ =	shalt  }
0x53: {  	_ =	shalt  }
0x54: {  	_ =	shalt  }
0x55: {  	_ =	shalt  }
0x56: {  	_ =	shalt  }
0x57: {  	_ =	shalt  }
0x58: {  	_ =	shalt  }
0x59: {  	_ =	shalt  }
0x5a: {  	_ =	shalt  }
0x5b: {  	_ =	shalt  }
0x5c: {  	_ =	shalt  }
0x5d: {  	_ =	shalt  }
0x5e: {  	_ =	shalt  }
0x5f: {  	_ =	shalt  }
0x60: {  	_ =	shalt  }
0x61: {  	_ =	shalt  }
0x62: {  	_ =	shalt  }
0x63: {  	_ =	shalt  }
0x64: {  	_ =	shalt  }
0x65: {  	_ =	shalt  }
0x66: {  	_ =	shalt  }
0x67: {  	_ =	shalt  }
0x68: {  	_ =	shalt  }
0x69: {  	_ =	shalt  }
0x6a: {  	_ =	shalt  }
0x6b: {  	_ =	shalt  }
0x6c: {  	_ =	shalt  }
0x6d: {  	_ =	shalt  }
0x6e: {  	_ =	shalt  }
0x6f: {  	_ =	shalt  }
0x70: {  	_ =	shalt  }
0x71: {  	_ =	shalt  }
0x72: {  	_ =	shalt  }
0x73: {  	_ =	shalt  }
0x74: {  	_ =	shalt  }
0x75: {  	_ =	shalt  }
0x76: {  	_ =	shalt  }
0x77: {  	_ =	shalt  }
0x78: {  	_ =	shalt  }
0x79: {  	_ =	shalt  }
0x7a: {  	_ =	shalt  }
0x7b: {  	_ =	shalt  }
0x7c: {  	_ =	shalt  }
0x7d: {  	_ =	shalt  }
0x7e: {  	_ =	shalt  }
0x7f: {  	_ =	shalt  }
0x80: {  	_ =	shalt  }
0x81: {  	_ =	shalt  }
0x82: {  	_ =	shalt  }
0x83: {  	_ =	shalt  }
0x84: {  	_ =	shalt  }
0x85: {  	_ =	shalt  }
0x86: {  	_ =	shalt  }
0x87: {  	_ =	shalt  }
.Lfunc_end0:
.L_simem_size_0:
called_computation_lowered:
.L_overlay_start_0:
0x88: {  	s2 =	sld [smem:$0x3FD9]  }
0x89: {  	s3 =	sld [smem:$0x3FFE];
	_ =	sdelay $0x1  }
0x8a: {  	s1 =	srdreg.scid  }
0x8b: {  	s0 =	sand.u32 $0x1, s1  }
0x8c: {  	s14 =	sshll.u32 s0, $0xA;
	s2 =	sadd.s32 s3, s2  }
0x8d: {  	s2 =	sadd.s32 s2, s14  }
0x8e: {  	[smem:$0x3FC7] =	sst s2  }
0x8f: {  	_ = 	snop  }
0x90: {  	s2 =	sld [smem:$0x3FD0];
	_ =	sdelay $0x2  }
0x91: {  	s15 =	simm.s32 $0xA;
	s4 =	simm.s32 $0x10  }
0x92: {  	[smem:s4], [sflag:s15] =	dma.local [hbm:s2], $0x1  }
0x93: {  	_ =	swait.eq [sflag:s15], $0x1  }
0x94: {  	s16 =	sld [smem:$0x10];
	[sflag:s15] =	ssyncset.done $0x0  }
0x95: {  	s17 =	sld [smem:$0x11];
	[sflag:s15] =	ssyncadd.s32 $0xFFFFFFFF  }
0x96: {  	s18 =	sld [smem:$0x12];
	(tm) =	ssettm $0x1  }
0x97: {  	s5 =	sld [smem:$0x3FFB];
	_ =	sdelay $0x3  }
0x98: {  	_ =	strace s5  }
0x99: {  	s5 =	sld [smem:$0x3FFC];
	_ =	sdelay $0x3  }
0x9a: {  	_ =	strace s5  }
0x9b: {  	s5 =	sld [smem:$0x3FFD];
	_ =	sdelay $0x3  }
0x9c: {  	_ =	strace s5  }
0x9d: {  	_ =	strace $0x8FFFFFFF  }
0x9e: {  	s19 =	sld [smem:$0x3FDB];
	_ =	sdelay $0x1  }
0x9f: {  	s6 =	simm.s32 $_scs_section_size  }
0xa0: {  	s7 =	simm.s32 $_size__tile_overlayer_lowered;
	s8 =	simm.s32 $_tile_overlayer_lowered  }
0xa1: {  	s22 =	simm.s32 $0x1BFF;
	s21 =	sshll.u32 s8, $0x1;
	s5 =	sadd.s32 s6, s19  }
0xa2: {  	s9 =	simm.s32 $0x0;
	s20 =	sshll.u32 s7, $0x1;
	s7 =	sadd.s32 s21, s5  }
0xa3: {  	[timem:s9], [sflag:s22] =	dma.local [hbm:s7], s20  }
0xa4: {  	_ =	swait.ge [sflag:s22], s20  }
0xa5: {  	s6 =	ssub.s32 $0x0, s20;
	[sflag:s22] =	ssyncset.done $0x0  }
0xa6: {  	[sflag:s22] =	ssyncadd.s32 s6;
	_ =	sdelay $0x1  }
0xa7: {  	s23 =	simm.s32 $0x1B8B  }
0xa8: {  	_ =	swait.ge [sflag:s23], $0x1  }
0xa9: {  	[sflag:s23] =	ssyncset.done $0x0  }
0xaa: {  	s25 =	simm.s32 $0x1B8E;
	s24 =	sld [smem:$0x3FFE];
	[sflag:s23] =	ssyncadd.s32 $0xFFFFFFFF  }
0xab: {  	s26 =	simm.s32 $execute0_lowered;
	[smem:$0x3FD2] =	sst s25  }
0xac: {  	s7 =	sshll.u32 s26, $0x1;
	_ =	strace $0x80000046;
	[dreg:$0x1] =	wrdreg $0xFFFFFFFF  }
0xad: {  	s28 =	simm.s32 $_size_execute0_lowered;
	s5 =	sadd.s32 s5, s7;
	[dreg:$0x0] =	wrdreg $0x0  }
0xae: {  	s7 =	sshll.u32 s28, $0x1;
	[dreg:$0x2] =	wrdreg s5  }
0xaf: {  	[dreg:$0x3] =	wrdreg s7  }
0xb0: {  	[dreg:$0x4] =	wrdreg $0xC0  }
0xb1: {  	_ =	task [dreg:s9], $0x5FFFF  }
0xb2: {  	[dreg:$0x1] =	wrdreg $0xFFFFFFFF  }
0xb3: {  	[dreg:$0x0] =	wrdreg $0x60  }
0xb4: {  	[dreg:$0x2] =	wrdreg s24  }
0xb5: {  	[dreg:$0x3] =	wrdreg s16  }
0xb6: {  	[dreg:$0x4] =	wrdreg s17  }
0xb7: {  	[dreg:$0x5] =	wrdreg s18  }
0xb8: {  	[dreg:$0x6] =	wrdreg $0x6800  }
0xb9: {  	[dreg:$0x7] =	wrdreg $0x6900  }
0xba: {  	[dreg:$0x8] =	wrdreg $0x9  }
0xbb: {  	_ =	task.clear_ibuf [dreg:s9], $0x9FFFF;
	_ =	strace $0x90000046  }
0xbc: {  	s29 =	simm.s32 $0x9;
	_ =	strace $0x80000048  }
0xbd: {  	_ =	swait.ge [sflag:s29], $0x1  }
0xbe: {  	[sflag:s29] =	ssyncadd.s32 $0xFFFFFFFF  }
0xbf: {  	_ =	strace $0x90000048  }
0xc0: {  	_ =	sfence  }
0xc1: {  	s30 =	sld [smem:$0x0];
	_ =	sdelay $0x2  }
0xc2: {  	s31 =	sshll.u32 s1, $0xD;
	s1 =	sshrl.u32 s1, $0x2  }
0xc3: {  	s3 =	sand.u32 $0x4000, s31;
	s1 =	sadd.s32 s1, s30  }
0xc4: {  	s0 =	sor.u32 s3, s0;
	s1 =	sshll.u32 s1, $0x11  }
0xc5: {  	s0 =	sor.u32 s1, s0  }
0xc6: {  	s0 =	sadd.s32 $0x8F2B, s0  }
0xc7: {  	[sflag:s0] =	ssyncadd.remote.s32 $0x1  }
0xc8: {  	_ =	sfence.sel $0xFFFF  }
0xc9: {  	[dreg:$0x0] =	wrdreg $0xFFFFFFFF;
	(pc) =	sbr.abs _section_cstart, $3  }
0xca: {  	[dreg:$0x1] =	wrdreg $0xFFFFFFFF  }
0xcb: {  	_ =	task.clear_ibuf [dreg:s9], $0x2FFFF;
	_ =	strace $0x9FFFFFFF  }
0xcc: {  	(tm) =	ssettm $0x7FFFFFFF  }
0xcd: {  	_ =	shalt  }
tec
execute0_lowered:
.L_overlay_start_1:
0x0: {  	(tag) =	ssettag $0x1  }
0x1: {  	v0 =	vlaneseq.u32  }
0x2: {  	v13 =	vimm.s32 $0xEDCBA987;
	v15 =	vimm.s32 $0x65432100;
	vm0 =	vcmask $0x300  }
0x3: {  	v20 =	vimm.s32 $0xDCBA9876;
	v23 =	vimm.s32 $0xFFFFFFFF;
	v21 =	vimm.s32 $0x54321000  }
0x4: {  	v22 =	vimm.s32 $0xBA987654;
	v24 =	vimm.s32 $0xE40000;
	v25 =	vimm.s32 $0x32100000  }
0x5: {  	vm6 =	vcmask $0x700;
	v26 =	vimm.s32 $0x7060504;
	vm7 =	vcmask $0xF00  }
0x6: {  	s20 =	stileid.u32;
	vm1 =	vcmask $0x3F30;
	v31 =	vimm.s32 $0x0;
	v17 =	vunpack.c.l.s4.s8 v13  }
0x7: {  	s5 =	rddreg [dreg:$0x0];
	v18 =	vunpack.c.l.s4.s8 v15;
	v30 =	vmov s20;
	v20 =	vunpack.c.l.s4.s8 v20  }
0x8: {  	s6 =	rddreg [dreg:$0x1];
	v21 =	vunpack.c.l.s4.s8 v21;
	v22 =	vunpack.c.l.s4.s8 v22;
	v24 =	vunpack.c.l.s2.s4 v24  }
0x9: {  	s8 =	rddreg [dreg:$0x2];
	s9 =	sshll.u32 s20, $0x8;
	v25 =	vunpack.c.l.s4.s8 v25;
	v29 =	vshrl.u32 v0, $0x3;
	v27 =	vand.u32 $0x7, v0  }
0xa: {  	s3 =	rddreg [dreg:$0x5];
	s4 =	simm.s32 $0x0;
	v1 =	vor.u32 s9, v0;
	v28 =	vmul.u32 $0xFFFFFFF1, v29;
	v27 =	vmul.u32 $0x4, v27  }
0xb: {  	[smem:$0x7FF] =	sst s4;
	s0 =	sor.u32 $0x10, s9;
	vm8 =	veq.s32 v30, $0xF;
	vm9 =	vgt.u32 v30, $0xD;
	vm10 =	vgt.u32 v30, $0xC  }
0xc: {  	s1 =	sor.u32 $0x20, s9;
	vm11 =	vgt.u32 v30, $0xB;
	vm4 =	vgt.u32 v30, $0xA;
	v2 =	vor.u32 s0, v0;
	s0 =	rddreg [dreg:$0x3]  }
0xd: {  	s2 =	sor.u32 $0x50, s9;
	vm5 =	vgt.u32 v30, $0x9;
	v3 =	vor.u32 s1, v0;
	s1 =	rddreg [dreg:$0x4];
	v31 =	vsel vm8, $0xFFFFFFFF, v31  }
0xe: {  	vm12 =	vgt.u32 v30, $0x2;
	v6 =	vor.u32 s2, v0;
	s2 =	rddreg [dreg:$0x6];
	_ =	strace $0x80000047;
	[tilespmem:$0x1FF40] =	vst v31;
	v31 =	vimm.s32 $0x0  }
0xf: {  	s17 =	sor.u32 $0x30, s9;
	s18 =	sor.u32 $0x40, s9;
	vm13 =	vgt.u32 v30, $0x1;
	vm14 =	veq.s32 v30, $0x0;
	v31 =	vsel vm9, $0xFFFFFFFF, v31  }
0x10: {  	s19 =	sor.u32 $0x60, s9;
	s21 =	sor.u32 $0x70, s9;
	v4 =	vor.u32 s17, v0;
	v5 =	vor.u32 s18, v0;
	[tilespmem:$0x1FF50] =	vst v31;
	v31 =	vimm.s32 $0x0  }
0x11: {  	s22 =	sor.u32 $0x80, s9;
	s23 =	sor.u32 $0x90, s9;
	v7 =	vor.u32 s19, v0;
	v8 =	vor.u32 s21, v0;
	v31 =	vsel vm10, $0xFFFFFFFF, v31  }
0x12: {  	s24 =	sor.u32 $0xA0, s9;
	s25 =	sor.u32 $0xB0, s9;
	v9 =	vor.u32 s22, v0;
	v10 =	vor.u32 s23, v0;
	[tilespmem:$0x1FF60] =	vst v31;
	v31 =	vimm.s32 $0x0  }
0x13: {  	s26 =	sor.u32 $0xC0, s9;
	v11 =	vor.u32 s24, v0;
	v12 =	vor.u32 s25, v0;
	v31 =	vsel vm11, $0xFFFFFFFF, v31  }
0x14: {  	v13 =	vor.u32 s26, v0;
	v20 =	vunpack.c.0.s8.s32 v20;
	[tilespmem:$0x1FF70] =	vst v31;
	v31 =	vimm.s32 $0x0  }
0x15: {  	v19 =	vunpack.c.0.s8.s32 v17;
	v21 =	vunpack.c.0.s8.s32 v21;
	v31 =	vsel vm4, $0xFFFFFFFF, v31  }
0x16: {  	v18 =	vunpack.c.0.s8.s32 v18;
	v20 =	vand.u32 $0xF, v20;
	[tilespmem:$0x1FF80] =	vst v31;
	v31 =	vimm.s32 $0x0  }
0x17: {  	v19 =	vand.u32 $0xF, v19;
	v20 =	vcombine.low v21, v20;
	v31 =	vsel vm5, $0xFFFFFFFF, v31  }
0x18: {  	v21 =	vsel vm6, $0x0, v23;
	vm6 =	vgt.u32 v30, $0x8;
	[tilespmem:$0x1FF90] =	vst v31;
	v31 =	vimm.s32 $0x0  }
0x19: {  	v18 =	vcombine.low v18, v19;
	v19 =	vsel vm0, $0x0, v23;
	v31 =	vsel vm6, $0xFFFFFFFF, v31  }
0x1a: {  	s28 =	sor.u32 $0xD0, s9;
	s29 =	sor.u32 $0xE0, s9;
	v23 =	vsel vm7, $0x0, v23;
	vm7 =	vgt.u32 v30, $0x7;
	[tilespmem:$0x1FFA0] =	vst v31;
	v31 =	vimm.s32 $0x0  }
0x1b: {  	s7 =	srdreg.scid;
	s12 =	simm.s32 $0x500;
	s30 =	sor.u32 $0xF0, s9;
	v14 =	vor.u32 s28, v0;
	v15 =	vor.u32 s29, v0;
	v31 =	vsel vm7, $0xFFFFFFFF, v31  }
0x1c: {  	s13 =	simm.s32 $0x580;
	s14 =	simm.s32 $0x80;
	s15 =	simm.s32 $0x400;
	v16 =	vor.u32 s30, v0;
	vm8 =	vgt.u32 v30, $0x6;
	[tilespmem:$0x1FFB0] =	vst v31;
	v31 =	vimm.s32 $0x0  }
0x1d: {  	s16 =	simm.s32 $0x300;
	s7 =	sand.u32 $0x1, s7;
	s10 =	sshll.u32 s20, $0x5;
	v17 =	vimm.s32 $0x0;
	v22 =	vunpack.c.0.s8.s32 v22;
	v31 =	vsel vm8, $0xFFFFFFFF, v31  }
0x1e: {  	s31 =	sshll.u32 s20, $0x4;
	p0 =	sne.s32 s20, $0x0;
	s20 =	sshll.u32 s20, $0x6;
	v24 =	vunpack.c.l.s4.s8 v24;
	vm9 =	vgt.u32 v30, $0x5;
	[tilespmem:$0x1FFC0] =	vst v31;
	v31 =	vimm.s32 $0x0  }
0x1f: {  	s7 =	ssub.s32 $0x2, s7;
	s5 =	sadd.s32 s10, s5;
	s6 =	sadd.s32 s6, s10;
	v25 =	vunpack.c.0.s8.s32 v25;
	v28 =	vadd.s32 $0xF, v28;
	v31 =	vsel vm9, $0xFFFFFFFF, v31  }
0x20: {  	s8 =	sadd.s32 s8, s10;
	s10 =	simm.s32 $0x2;
	s20 =	sor.u32 $0x1C02, s20;
	v22 =	vand.u32 $0xF, v22;
	vm10 =	vgt.u32 v30, $0x4;
	[tilespmem:$0x1FFD0] =	vst v31;
	v31 =	vimm.s32 $0x0  }
0x21: {  	s11 =	sshrl.u32 s7, $0x1;
	s5 =	sadd.s32 $0x200, s5;
	s21 =	sadd.s32 s9, s3;
	v24 =	vunpack.c.0.s8.s32 v24;
	v22 =	vcombine.low v25, v22;
	v31 =	vsel vm10, $0xFFFFFFFF, v31  }
0x22: {  	s17 =	simm.s32 $0x480;
	s18 =	simm.s32 $0x380;
	s19 =	simm.s32 $0x1;
	v25 =	vunpack.c.0.s8.s32 v26;
	vm11 =	vgt.u32 v30, $0x3;
	[tilespmem:$0x1FFE0] =	vst v31;
	v31 =	vimm.s32 $0x0  }
0x23: {  	s22 =	simm.s32 $0x0;
	s11 =	ssub.s32 s7, s11;
	s7 =	sadd.s32 s31, s1;
	v26 =	vimm.s32 $0xF;
	v24 =	vand.u32 $0x3, v24;
	v31 =	vsel vm11, $0xFFFFFFFF, v31  }
0x24: {  	s21 =	sshrl.u32 s21, $0x3;
	s9 =	smax.u32 s11, $0x1;
	s11 =	simm.s32 $0x100;
	v24 =	vsel vm1, v25, v24;
	v25 =	vmul.u32 $0xFFFFFFFF, v29;
	v29 =	vmul.u32 $0xF, v29;
	[tilespmem:$0x1FFF0] =	vst v31  }
.LBB2_1:
0x25: {  	[tilespmem:s4], [sflag:$0x2] =	stream.linear.gather [hbm4b:s5+s4], $0x100, $0x38;
	[tilespmem:$0x790] =	vst v63  }
0x26: {  	_ =	swait.ge [sflag:s10], $0x100  }
0x27: {  	[sflag:s10] =	ssyncset.done $0x0  }
0x28: {  	s23 =	simm.s32 $0x0;
	[sflag:s10] =	ssyncadd.s32 $0xFFFFFF00  }
0x29: {  	v30 =	vld [tilespmem:s23+$0x0];
	_ =	sdelay $0x4  }
0x2a: {  	vm0 =	vgt.f32 v30, $-1.799999950e+00;
	vm1 =	vgt.f32 v30, $-1.542899970e+00  }
0x2b: {  	vm2 =	vgt.f32 v30, $-1.285699960e+00;
	v31 =	vsel vm0, $0x1, v17;
	v32 =	vsel vm1, $0x1, v17  }
0x2c: {  	vm0 =	vgt.f32 v30, $-1.028599980e+00;
	v49 =	vsel vm2, $0x1, v17;
	v31 =	vadd.s32 v32, v31  }
0x2d: {  	vm1 =	vgt.f32 v30, $-7.713999740e-01;
	v33 =	vsel vm0, $0x1, v17;
	v31 =	vadd.s32 v49, v31  }
0x2e: {  	vm0 =	vgt.f32 v30, $-5.142999890e-01;
	v50 =	vsel vm1, $0x1, v17;
	v31 =	vadd.s32 v33, v31  }
0x2f: {  	vm1 =	vgt.f32 v30, $-2.570999860e-01;
	v51 =	vsel vm0, $0x1, v17;
	v31 =	vadd.s32 v50, v31  }
0x30: {  	vm0 =	vgt.f32 v30, $0.0e+00;
	v52 =	vsel vm1, $0x1, v17;
	v31 =	vadd.s32 v51, v31  }
0x31: {  	vm1 =	vgt.f32 v30, $2.570999860e-01;
	v53 =	vsel vm0, $0x1, v17;
	v31 =	vadd.s32 v52, v31  }
0x32: {  	vm0 =	vgt.f32 v30, $5.142999890e-01;
	v54 =	vsel vm1, $0x1, v17;
	v31 =	vadd.s32 v53, v31  }
0x33: {  	vm1 =	vgt.f32 v30, $7.713999740e-01;
	v55 =	vsel vm0, $0x1, v17;
	v31 =	vadd.s32 v54, v31  }
0x34: {  	vm0 =	vgt.f32 v30, $1.028599980e+00;
	v56 =	vsel vm1, $0x1, v17;
	v31 =	vadd.s32 v55, v31  }
0x35: {  	v57 =	vsel vm0, $0x1, v17;
	vm0 =	vgt.f32 v30, $1.285699960e+00;
	v31 =	vadd.s32 v56, v31  }
0x36: {  	s24 =	simm.s32 $0x10;
	v58 =	vsel vm0, $0x1, v17;
	vm0 =	vgt.f32 v30, $1.542899970e+00;
	v31 =	vadd.s32 v57, v31  }
0x37: {  	v34 =	vld [tilespmem:s24+$0x0];
	v59 =	vsel vm0, $0x1, v17;
	vm0 =	vgt.f32 v30, $1.799999950e+00;
	v31 =	vadd.s32 v58, v31  }
0x38: {  	v30 =	vadd.s32 v59, v31;
	v31 =	vsel vm0, $0x1, v17  }
0x39: {  	v33 =	vadd.s32 v31, v30  }
0x3a: {  	vm15 =	vlt.u32 v33, $0x8;
	v30 =	vshll.u32 v33, $0x2  }
0x3b: {  	vm0 =	vge.u32 v33, $0x8;
	v60 =	vsel vm15, $0x1, v17;
	v31 =	vand.u32 $0x1C, v30  }
0x3c: {  	vm4 =	vgt.f32 v34, $2.570999860e-01;
	v61 =	vsel vm0, $0x1, v17;
	v36 =	vshll.u32 v60, v31  }
0x3d: {  	vm3 =	vgt.f32 v34, $5.142999890e-01;
	v35 =	vshll.u32 v61, v31;
	v62 =	vperm.xlane v36, v18  }
0x3e: {  	vm5 =	vgt.f32 v34, $0.0e+00;
	vm7 =	vgt.f32 v34, $-7.713999740e-01;
	v37 =	vperm.xlane v35, v18  }
0x3f: {  	vm8 =	vgt.f32 v34, $-5.142999890e-01;
	vm6 =	vgt.f32 v34, $-1.285699960e+00;
	v32 =	vand.u32 v19, v62  }
0x40: {  	vm9 =	vgt.f32 v34, $-1.028599980e+00;
	v37 =	vand.u32 v19, v37;
	v32 =	vadd.s32 v32, v36  }
0x41: {  	vm10 =	vgt.f32 v34, $-1.799999950e+00;
	v38 =	vadd.s32 v37, v35;
	v39 =	vperm.xlane v32, v20  }
0x42: {  	vm2 =	vgt.f32 v34, $-2.570999860e-01;
	vm1 =	vgt.f32 v34, $7.713999740e-01;
	v40 =	vperm.xlane v38, v20  }
0x43: {  	v30 =	vperm.xlane v17, v33;
	vm0 =	vgt.f32 v34, $1.028599980e+00;
	v63 =	vand.u32 v21, v39  }
0x44: {  	s25 =	simm.s32 $0x80;
	[tilespmem:s23+$0x100] =	vst v33;
	v39 =	vand.u32 v21, v40;
	v37 =	vadd.s32 v63, v32;
	v32 =	vimm.s32 $0x0  }
.LBB2_2:
0x45: {  	p1 =	sne.s32 s25, $0x3C0;
	vm11 =	vgt.f32 v34, $-1.542899970e+00;
	v40 =	vperm.xlane v37, v22;
	v38 =	vadd.s32 v39, v38  }
0x46: {  	v39 =	vsel vm4, $0x1, v17;
	v41 =	vsel vm3, $0x1, v17;
	v42 =	vperm.xlane v38, v22  }
0x47: {  	v43 =	vsel vm8, $0x1, v17;
	v44 =	vsel vm5, $0x1, v17;
	v40 =	vand.u32 v23, v40  }
0x48: {  	v45 =	vsel vm7, $0x1, v17;
	v37 =	vadd.s32 v40, v37;
	v40 =	vand.u32 v23, v42  }
0x49: {  	v42 =	vsel vm9, $0x1, v17;
	v46 =	vperm.xlane v37, v24;
	v38 =	vadd.s32 v40, v38  }
0x4a: {  	v47 =	vsel vm11, $0x1, v17;
	v40 =	vsel vm10, $0x1, v17;
	v48 =	vperm.xlane v38, v24  }
0x4b: {  	v40 =	vadd.s32 v47, v40;
	v47 =	vsel vm6, $0x1, v17;
	v46 =	vand.u32 v25, v46  }
0x4c: {  	v40 =	vadd.s32 v47, v40;
	v36 =	vsub.s32 v46, v36;
	v46 =	vand.u32 v25, v48  }
0x4d: {  	v40 =	vadd.s32 v42, v40;
	v36 =	vadd.s32 v37, v36;
	v35 =	vsub.s32 v46, v35  }
0x4e: {  	v37 =	vadd.s32 v45, v40;
	v35 =	vadd.s32 v38, v35;
	v38 =	vperm.xlane v36, v26  }
0x4f: {  	v40 =	vsel vm2, $0x1, v17;
	v37 =	vadd.s32 v43, v37;
	v42 =	vperm.xlane v35, v26  }
0x50: {  	v33 =	vperm.xlane v33, v26;
	v37 =	vadd.s32 v40, v37;
	v38 =	vshrl.u32 v38, v27  }
0x51: {  	v37 =	vadd.s32 v44, v37;
	v38 =	vand.u32 v28, v38;
	v40 =	vshrl.u32 v42, v27  }
0x52: {  	vm2 =	veq.s32 v33, v0;
	v40 =	vand.u32 v29, v40;
	v32 =	vadd.s32 v32, v38  }
0x53: {  	v33 =	vadd.s32 v39, v37;
	v37 =	vsel vm2, $0x1, v17;
	v32 =	vadd.s32 v40, v32  }
0x54: {  	v33 =	vadd.s32 v41, v33;
	v38 =	vsel vm1, $0x1, v17;
	v32 =	vadd.s32 v37, v32  }
0x55: {  	v33 =	vadd.s32 v38, v33;
	v37 =	vsel vm0, $0x1, v17;
	vm0 =	vgt.f32 v34, $1.285699960e+00  }
0x56: {  	v33 =	vadd.s32 v37, v33;
	v37 =	vsel vm0, $0x1, v17;
	vm0 =	vgt.f32 v34, $1.542899970e+00  }
0x57: {  	v33 =	vadd.s32 v37, v33;
	v37 =	vsel vm0, $0x1, v17;
	vm0 =	vgt.f32 v34, $1.799999950e+00  }
0x58: {  	s26 =	sshra.s32 s25, $0x2;
	v35 =	vsel vm15, v36, v35;
	v33 =	vadd.s32 v37, v33;
	v37 =	vsel vm0, $0x1, v17  }
0x59: {  	v35 =	vshrl.u32 v35, v31;
	v33 =	vadd.s32 v37, v33;
	v34 =	vld [tilespmem:s26+$0x0]  }
0x5a: {  	vm15 =	vlt.u32 v33, $0x8;
	v31 =	vshll.u32 v33, $0x2;
	v37 =	vperm.xlane v32, v33;
	[tilespmem:s24+$0x100] =	vst v33  }
0x5b: {  	vm0 =	vge.u32 v33, $0x8;
	v36 =	vsel vm15, $0x1, v17;
	v31 =	vand.u32 $0x1C, v31  }
0x5c: {  	v39 =	vand.u32 $0xF, v35;
	v38 =	vsel vm0, $0x1, v17;
	v36 =	vshll.u32 v36, v31  }
0x5d: {  	v39 =	vadd.s32 v30, v39;
	v35 =	vshll.u32 v38, v31;
	v30 =	vmovc v37;
	v38 =	vperm.xlane v36, v18  }
0x5e: {  	v37 =	vperm.xlane v35, v18;
	vm1 =	vgt.f32 v34, $7.713999740e-01;
	vm0 =	vgt.f32 v34, $1.028599980e+00;
	[tilespmem:s23+$0x200] =	vst v39;
	s23 =	smov.u32 s24;
	s24 =	smov.u32 s26  }
0x5f: {  	vm4 =	vgt.f32 v34, $2.570999860e-01;
	vm3 =	vgt.f32 v34, $5.142999890e-01;
	v38 =	vand.u32 v19, v38  }
.Ltmp0:
0x60: {  	vm5 =	vgt.f32 v34, $0.0e+00;
	v37 =	vand.u32 v19, v37;
	v39 =	vadd.s32 v38, v36;
	(pc) =	sbr.rel @p1 .LBB2_2-.Ltmp0, $4  }
0x61: {  	vm2 =	vgt.f32 v34, $-2.570999860e-01;
	v38 =	vadd.s32 v37, v35;
	v40 =	vperm.xlane v39, v20  }
0x62: {  	vm7 =	vgt.f32 v34, $-7.713999740e-01;
	vm8 =	vgt.f32 v34, $-5.142999890e-01;
	v41 =	vperm.xlane v38, v20  }
0x63: {  	vm6 =	vgt.f32 v34, $-1.285699960e+00;
	vm9 =	vgt.f32 v34, $-1.028599980e+00;
	v37 =	vand.u32 v21, v40  }
0x64: {  	s25 =	sadd.s32 $0x40, s25;
	vm10 =	vgt.f32 v34, $-1.799999950e+00;
	v37 =	vadd.s32 v37, v39;
	v39 =	vand.u32 v21, v41  }
0x65: {  	vm11 =	vgt.f32 v34, $-1.542899970e+00  }
0x66: {  	v40 =	vsel vm10, $0x1, v17;
	v41 =	vsel vm11, $0x1, v17  }
0x67: {  	v42 =	vsel vm6, $0x1, v17;
	v40 =	vadd.s32 v41, v40  }
0x68: {  	v52 =	vsel vm9, $0x1, v17;
	v40 =	vadd.s32 v42, v40  }
0x69: {  	v53 =	vsel vm7, $0x1, v17;
	v40 =	vadd.s32 v52, v40  }
0x6a: {  	v54 =	vsel vm8, $0x1, v17;
	v40 =	vadd.s32 v53, v40  }
0x6b: {  	v55 =	vsel vm2, $0x1, v17;
	v40 =	vadd.s32 v54, v40  }
0x6c: {  	v56 =	vsel vm5, $0x1, v17;
	v40 =	vadd.s32 v55, v40  }
0x6d: {  	v57 =	vsel vm4, $0x1, v17;
	v40 =	vadd.s32 v56, v40  }
0x6e: {  	v58 =	vsel vm3, $0x1, v17;
	v59 =	vsel vm1, $0x1, v17;
	v40 =	vadd.s32 v57, v40  }
0x6f: {  	v60 =	vsel vm0, $0x1, v17;
	vm9 =	vgt.f32 v34, $1.285699960e+00;
	v40 =	vadd.s32 v58, v40  }
0x70: {  	vm10 =	vgt.f32 v34, $1.542899970e+00;
	v63 =	vadd.s32 v39, v38;
	v40 =	vadd.s32 v59, v40  }
0x71: {  	v61 =	vsel vm9, $0x1, v17;
	v62 =	vsel vm10, $0x1, v17;
	v40 =	vadd.s32 v60, v40  }
0x72: {  	vm11 =	vgt.f32 v34, $1.799999950e+00;
	v49 =	vperm.xlane v63, v22;
	v40 =	vadd.s32 v61, v40  }
0x73: {  	v47 =	vsel vm11, $0x1, v17;
	v46 =	vadd.s32 v62, v40  }
0x74: {  	v48 =	vperm.xlane v37, v22;
	v41 =	vand.u32 v23, v49;
	v38 =	vadd.s32 v47, v46  }
0x75: {  	vm4 =	vlt.u32 v38, $0x8;
	v39 =	vshll.u32 v38, $0x2;
	vm5 =	vge.u32 v38, $0x8  }
0x76: {  	v50 =	vsel vm4, $0x1, v17;
	v39 =	vand.u32 $0x1C, v39;
	v43 =	vsel vm5, $0x1, v17  }
0x77: {  	v40 =	vand.u32 v23, v48;
	v42 =	vshll.u32 v50, v39;
	v43 =	vshll.u32 v43, v39  }
0x78: {  	v51 =	vadd.s32 v40, v37;
	v52 =	vperm.xlane v42, v18;
	v44 =	vperm.xlane v43, v18  }
0x79: {  	v34 =	vadd.s32 v41, v63;
	v45 =	vperm.xlane v51, v24  }
0x7a: {  	v54 =	vperm.xlane v34, v24;
	v40 =	vand.u32 v19, v52;
	v53 =	vand.u32 v19, v44  }
0x7b: {  	v45 =	vand.u32 v25, v45;
	v40 =	vadd.s32 v40, v42;
	v41 =	vadd.s32 v53, v43  }
0x7c: {  	v36 =	vsub.s32 v45, v36;
	v46 =	vperm.xlane v40, v20;
	v47 =	vperm.xlane v41, v20  }
0x7d: {  	v33 =	vperm.xlane v33, v26;
	v36 =	vadd.s32 v51, v36  }
0x7e: {  	v44 =	vand.u32 v25, v54;
	v55 =	vand.u32 v21, v46;
	v56 =	vand.u32 v21, v47  }
0x7f: {  	v60 =	vperm.xlane v36, v26;
	v40 =	vadd.s32 v55, v40;
	v41 =	vadd.s32 v56, v41  }
0x80: {  	v35 =	vsub.s32 v44, v35;
	v57 =	vperm.xlane v40, v22;
	v58 =	vperm.xlane v41, v22  }
0x81: {  	vm6 =	veq.s32 v33, v0;
	v34 =	vadd.s32 v34, v35  }
0x82: {  	v35 =	vshrl.u32 v60, v27;
	v33 =	vand.u32 v23, v57;
	v61 =	vand.u32 v23, v58  }
0x83: {  	v62 =	vperm.xlane v34, v26;
	v33 =	vadd.s32 v33, v40;
	v37 =	vadd.s32 v61, v41  }
0x84: {  	v35 =	vand.u32 v28, v35;
	v40 =	vperm.xlane v33, v24;
	v41 =	vperm.xlane v37, v24  }
0x85: {  	v59 =	vsel vm6, $0x1, v17;
	v34 =	vsel vm15, v36, v34;
	v32 =	vadd.s32 v32, v35  }
0x86: {  	v63 =	vshrl.u32 v62, v27;
	v40 =	vand.u32 v25, v40;
	v41 =	vand.u32 v25, v41  }
0x87: {  	v36 =	vand.u32 v29, v63;
	v44 =	vsub.s32 v40, v42;
	v46 =	vsub.s32 v41, v43  }
0x88: {  	v32 =	vadd.s32 v36, v32;
	v33 =	vadd.s32 v33, v44;
	v47 =	vadd.s32 v37, v46  }
0x89: {  	v31 =	vshrl.u32 v34, v31;
	v32 =	vadd.s32 v59, v32;
	v48 =	vsel vm4, v33, v47  }
0x8a: {  	v31 =	vand.u32 $0xF, v31;
	v49 =	vperm.xlane v32, v38;
	v34 =	vshrl.u32 v48, v39  }
0x8b: {  	[tilespmem:s24+$0x100] =	vst v38;
	v30 =	vadd.s32 v30, v31;
	v31 =	vand.u32 $0xF, v34  }
0x8c: {  	[tilespmem:s23+$0x200] =	vst v30;
	v30 =	vadd.s32 v49, v31  }
0x8d: {  	[tilespmem:s24+$0x200] =	vst v30  }
0x8e: {  	[tilespmem:$0x300] =	vst v1  }
0x8f: {  	[tilespmem:$0x310] =	vst v2  }
0x90: {  	[tilespmem:$0x320] =	vst v3  }
0x91: {  	[tilespmem:$0x330] =	vst v4  }
0x92: {  	[tilespmem:$0x340] =	vst v5  }
0x93: {  	[tilespmem:$0x350] =	vst v6  }
0x94: {  	[tilespmem:$0x360] =	vst v7  }
0x95: {  	[tilespmem:$0x370] =	vst v8  }
0x96: {  	[tilespmem:$0x380] =	vst v9  }
0x97: {  	[tilespmem:$0x390] =	vst v10  }
0x98: {  	v30 =	vperm.xlane v33, v26;
	[tilespmem:$0x3A0] =	vst v11  }
0x99: {  	v31 =	vperm.xlane v47, v26;
	[tilespmem:$0x3B0] =	vst v12  }
0x9a: {  	v50 =	vperm.xlane v38, v26;
	[tilespmem:$0x3C0] =	vst v13;
	v30 =	vshrl.u32 v30, v27  }
0x9b: {  	v31 =	vshrl.u32 v31, v27;
	[tilespmem:$0x3D0] =	vst v14;
	v30 =	vand.u32 v28, v30  }
0x9c: {  	vm7 =	veq.s32 v50, v0;
	[tilespmem:$0x3E0] =	vst v15;
	v31 =	vand.u32 v29, v31;
	v30 =	vadd.s32 v32, v30  }
0x9d: {  	v51 =	vsel vm7, $0x1, v17;
	[tilespmem:$0x3F0] =	vst v16;
	v30 =	vadd.s32 v31, v30  }
0x9e: {  	[hbm4b:s6+s4] =	stream.linear.scatter [tilespmem:s11], [sflag:$0x1], $0x100, $0x38;
	v30 =	vadd.s32 v51, v30;
	[tilespmem:$0x790] =	vst v63  }
0x9f: {  	[tilespmem:$0x500] =	vst v30  }
0xa0: {  	[spmem:s7] =	stream.linear.scatter [tilespmem:s12], [sflag:$0x2], $0x10, $0x38;
	[tilespmem:$0x790] =	vst v63  }
0xa1: {  	_ =	swait.ge [sflag:s10], $0x10  }
0xa2: {  	[sflag:s10] =	ssyncset.done $0x0  }
0xa3: {  	[sflag:s10] =	ssyncadd.s32 $0xFFFFFFF0  }
0xa4: {  	[bflag:$0x0] =	sbarrier.arrive $0xFFFF  }
0xa5: {  	[tilespmem:s13], [sflag:$0x2] =	stream.linear.gather [spmem:s1], $0x100, $0x38;
	[tilespmem:$0x790] =	vst v63  }
0xa6: {  	_ =	swait.ge [sflag:s10], $0x100  }
0xa7: {  	[sflag:s10] =	ssyncset.done $0x0  }
0xa8: {  	[sflag:s10] =	ssyncadd.s32 $0xFFFFFF00  }
0xa9: {  	v30 =	vld [tilespmem:$0x580]  }
0xaa: {  	v31 =	vld [tilespmem:$0x590]  }
0xab: {  	v52 =	vld [tilespmem:$0x5A0]  }
0xac: {  	v53 =	vld [tilespmem:$0x5B0]  }
0xad: {  	v54 =	vld [tilespmem:$0x5C0]  }
0xae: {  	v55 =	vld [tilespmem:$0x5D0]  }
0xaf: {  	v57 =	vld [tilespmem:$0x5E0];
	v56 =	vadd.s32 v30, v31  }
0xb0: {  	v58 =	vld [tilespmem:$0x5F0];
	v36 =	vadd.s32 v52, v56  }
0xb1: {  	v59 =	vld [tilespmem:$0x600];
	v36 =	vadd.s32 v53, v36  }
0xb2: {  	v60 =	vld [tilespmem:$0x610];
	v36 =	vadd.s32 v54, v36  }
0xb3: {  	v61 =	vld [tilespmem:$0x620];
	v36 =	vadd.s32 v55, v36  }
0xb4: {  	v62 =	vld [tilespmem:$0x630];
	v36 =	vadd.s32 v57, v36  }
0xb5: {  	v63 =	vld [tilespmem:$0x640];
	v36 =	vadd.s32 v58, v36  }
0xb6: {  	v44 =	vld [tilespmem:$0x650];
	v36 =	vadd.s32 v59, v36  }
0xb7: {  	v45 =	vld [tilespmem:$0x660];
	v36 =	vadd.s32 v60, v36  }
0xb8: {  	v51 =	vld [tilespmem:$0x670];
	v36 =	vadd.s32 v61, v36  }
0xb9: {  	v36 =	vadd.s32 v62, v36  }
0xba: {  	v36 =	vadd.s32 v63, v36  }
0xbb: {  	v36 =	vadd.s32 v44, v36  }
0xbc: {  	v36 =	vadd.s32 v45, v36  }
0xbd: {  	v36 =	vadd.s32 v51, v36  }
0xbe: {  	s23 =	simm.s32 @!p0 $0x0;
	s24 =	simm.s32 @!p0 $0x500;
	[tilespmem:$0x500] =	vst @!p0 v36  }
0xbf: {  	[hbm4b:s0+s23] =	stream.linear.scatter @!p0 [tilespmem:s24], [sflag:$0x2], $0x80, $0x38;
	[tilespmem:$0x790] =	vst v63  }
0xc0: {  	s23 =	simm.s32 @!p0 $0x2  }
0xc1: {  	_ =	swait.ge @!p0 [sflag:s23], $0x80  }
0xc2: {  	v32 =	vnsel vm12, $0x0, v52;
	v52 =	vld [tilespmem:$0x1FFE0];
	_ =	sdelay $0x1  }
0xc3: {  	v50 =	vld [tilespmem:$0x1FFB0]  }
0xc4: {  	[sflag:s23] =	ssyncset.done @!p0 $0x0;
	v49 =	vld [tilespmem:$0x1FFF0]  }
0xc5: {  	v56 =	vld [tilespmem:$0x1FFA0];
	[sflag:s23] =	ssyncadd.s32 @!p0 $0xFFFFFF80  }
0xc6: {  	v46 =	vld [tilespmem:$0x100];
	vm9 =	vnez.u8 v52  }
0xc7: {  	v34 =	vnsel vm9, $0x0, v54;
	v54 =	vld [tilespmem:$0x1FFC0]  }
0xc8: {  	v47 =	vld [tilespmem:$0x200];
	vm4 =	vnez.u8 v50  }
0xc9: {  	v30 =	vsel vm14, $0x0, v30;
	v31 =	vnsel vm13, $0x0, v31;
	v38 =	vnsel vm4, $0x0, v58;
	v58 =	vld [tilespmem:$0x1FF80]  }
0xca: {  	v30 =	vadd.s32 v30, v31;
	v31 =	vld [tilespmem:$0x110]  }
0xcb: {  	v30 =	vadd.s32 v32, v30;
	v32 =	vld [tilespmem:$0x210];
	vm8 =	vnez.u8 v49  }
0xcc: {  	v33 =	vnsel vm8, $0x0, v53;
	v53 =	vld [tilespmem:$0x1FFD0];
	vm11 =	vnez.u8 v54  }
0xcd: {  	v37 =	vnsel vm11, $0x0, v57;
	v57 =	vld [tilespmem:$0x1FF90]  }
0xce: {  	v48 =	vperm.xlane v36, v18;
	v51 =	vld [tilespmem:$0x1A0];
	vm7 =	vnez.u8 v58  }
0xcf: {  	v41 =	vnsel vm7, $0x0, v61;
	v61 =	vld [tilespmem:$0x1FF60]  }
0xd0: {  	v48 =	vand.u32 v19, v48;
	v52 =	vld [tilespmem:$0x1FF40]  }
0xd1: {  	v48 =	vadd.s32 v36, v48;
	vm5 =	vnez.u8 v56;
	v56 =	vld [tilespmem:$0x190]  }
0xd2: {  	v50 =	vld [tilespmem:$0x290];
	v30 =	vadd.s32 v33, v30;
	vm10 =	vnez.u8 v53;
	vm6 =	vnez.u8 v57  }
0xd3: {  	v30 =	vadd.s32 v34, v30;
	v35 =	vnsel vm10, $0x0, v55;
	v40 =	vnsel vm6, $0x0, v60;
	v60 =	vld [tilespmem:$0x1FF70]  }
0xd4: {  	v33 =	vld [tilespmem:$0x120];
	v55 =	vperm.xlane v48, v20;
	v30 =	vadd.s32 v35, v30;
	vm9 =	vnez.u8 v61  }
0xd5: {  	v30 =	vadd.s32 v37, v30;
	v43 =	vnsel vm9, $0x0, v63;
	v63 =	vld [tilespmem:$0x1FF50]  }
0xd6: {  	v39 =	vnsel vm5, $0x0, v59;
	v34 =	vld [tilespmem:$0x220];
	v49 =	vand.u32 v21, v55;
	v30 =	vadd.s32 v38, v30  }
0xd7: {  	v54 =	vld [tilespmem:$0x270];
	v48 =	vadd.s32 v49, v48;
	v30 =	vadd.s32 v39, v30  }
0xd8: {  	v58 =	vld [tilespmem:$0x1B0];
	v59 =	vperm.xlane v48, v22;
	v30 =	vadd.s32 v40, v30;
	vm8 =	vnez.u8 v60  }
0xd9: {  	vm11 =	vnez.u8 v52;
	v35 =	vld [tilespmem:$0x130];
	v30 =	vadd.s32 v41, v30;
	v42 =	vnsel vm8, $0x0, v62  }
0xda: {  	v37 =	vld [tilespmem:$0x230];
	v49 =	vand.u32 v23, v59;
	vm10 =	vnez.u8 v63;
	v30 =	vadd.s32 v42, v30  }
0xdb: {  	v55 =	vld [tilespmem:$0x180];
	v48 =	vadd.s32 v49, v48;
	v44 =	vnsel vm10, $0x0, v44;
	v30 =	vadd.s32 v43, v30  }
0xdc: {  	v45 =	vnsel vm11, $0x0, v45;
	v38 =	vld [tilespmem:$0x140];
	v53 =	vperm.xlane v48, v24;
	v30 =	vadd.s32 v44, v30  }
0xdd: {  	v39 =	vld [tilespmem:$0x240];
	v30 =	vadd.s32 v45, v30  }
0xde: {  	v61 =	vld [tilespmem:$0x1C0];
	v49 =	vand.u32 v25, v53;
	v30 =	vsub.s32 v30, v36  }
0xdf: {  	v40 =	vld [tilespmem:$0x150];
	v30 =	vadd.s32 v49, v30  }
0xe0: {  	v41 =	vld [tilespmem:$0x250];
	v30 =	vadd.s32 v48, v30  }
0xe1: {  	v53 =	vld [tilespmem:$0x2D0];
	v46 =	vperm.xlane v30, v46  }
0xe2: {  	v62 =	vld [tilespmem:$0x160];
	v31 =	vperm.xlane v30, v31  }
0xe3: {  	v44 =	vld [tilespmem:$0x170];
	v33 =	vperm.xlane v30, v33;
	v46 =	vadd.s32 v47, v46  }
0xe4: {  	v43 =	vld [tilespmem:$0x260];
	v57 =	vperm.xlane v30, v35;
	v31 =	vadd.s32 v32, v31;
	[tilespmem:$0x400] =	vst v46  }
0xe5: {  	v63 =	vld [tilespmem:$0x2C0];
	v59 =	vperm.xlane v30, v38;
	[tilespmem:$0x410] =	vst v31;
	v31 =	vadd.s32 v34, v33  }
0xe6: {  	v49 =	vld [tilespmem:$0x280];
	v60 =	vperm.xlane v30, v40;
	[tilespmem:$0x420] =	vst v31;
	v31 =	vadd.s32 v37, v57  }
0xe7: {  	v62 =	vperm.xlane v30, v62;
	v47 =	vld [tilespmem:$0x2A0];
	[tilespmem:$0x430] =	vst v31;
	v31 =	vadd.s32 v39, v59  }
0xe8: {  	v44 =	vperm.xlane v30, v44;
	v34 =	vld [tilespmem:$0x2B0];
	[tilespmem:$0x440] =	vst v31;
	v31 =	vadd.s32 v41, v60  }
0xe9: {  	v52 =	vperm.xlane v30, v55;
	v46 =	vld [tilespmem:$0x1D0];
	[tilespmem:$0x450] =	vst v31;
	v31 =	vadd.s32 v43, v62  }
0xea: {  	v55 =	vld [tilespmem:$0x1E0];
	[tilespmem:$0x460] =	vst v31;
	v31 =	vadd.s32 v54, v44;
	v54 =	vperm.xlane v30, v56  }
0xeb: {  	v57 =	vld [tilespmem:$0x1F0];
	v56 =	vperm.xlane v30, v51;
	[tilespmem:$0x470] =	vst v31;
	v31 =	vadd.s32 v49, v52  }
0xec: {  	v58 =	vperm.xlane v30, v58;
	v59 =	vld [tilespmem:$0x2E0];
	[tilespmem:$0x480] =	vst v31;
	v31 =	vadd.s32 v50, v54  }
0xed: {  	v60 =	vperm.xlane v30, v61;
	v61 =	vld [tilespmem:$0x2F0];
	[tilespmem:$0x490] =	vst v31;
	v31 =	vadd.s32 v47, v56  }
0xee: {  	v62 =	vperm.xlane v30, v46;
	[tilespmem:$0x4A0] =	vst v31;
	v31 =	vadd.s32 v34, v58  }
0xef: {  	[tilespmem:$0x4B0] =	vst v31;
	v31 =	vadd.s32 v63, v60;
	v63 =	vperm.xlane v30, v55  }
0xf0: {  	v30 =	vperm.xlane v30, v57;
	[tilespmem:$0x4C0] =	vst v31;
	v31 =	vadd.s32 v53, v62  }
0xf1: {  	[tilespmem:$0x4D0] =	vst v31;
	v31 =	vadd.s32 v59, v63  }
0xf2: {  	v30 =	vadd.s32 v61, v30;
	[tilespmem:$0x4E0] =	vst v31  }
0xf3: {  	[tilespmem:$0x4F0] =	vst v30  }
0xf4: {  	[spmem:s3] =	stream.indirect.scatter [tilespmem:s16], [sflag:$0x1], $0x1, s15, s14, $0xb8;
	[tilespmem:$0x790] =	vst v63  }
0xf5: {  	_ = 	snop  }
0xf6: {  	[spmem:s3] =	stream.indirect.scatter [tilespmem:s18], [sflag:$0x1], $0x1, s17, s14, $0xb8;
	[tilespmem:$0x790] =	vst v63  }
0xf7: {  	_ =	swait.ge [sflag:s19], $0x100  }
0xf8: {  	[sflag:s19] =	ssyncset.done $0x0  }
0xf9: {  	[sflag:s19] =	ssyncadd.s32 $0xFFFFFF00  }
0xfa: {  	_ =	swait.ge [sflag:s19], $0x80  }
0xfb: {  	[sflag:s19] =	ssyncset.done $0x0  }
0xfc: {  	[sflag:s19] =	ssyncadd.s32 $0xFFFFFF80  }
0xfd: {  	_ =	swait.ge [sflag:s19], $0x80  }
0xfe: {  	s22 =	sadd.s32 $0x1, s22;
	[sflag:s19] =	ssyncset.done $0x0  }
0xff: {  	p1 =	sne.s32 s22, s9;
	[sflag:s19] =	ssyncadd.s32 $0xFFFFFF80  }
.Ltmp1:
0x100: {  	[bflag:$0x0] =	sbarrier.arrive $0xFFFF;
	(pc) =	sbr.rel @p1 .LBB2_1-.Ltmp1, $4  }
0x101: {  	[hbm:s8], [sflag:s20] =	dma.local [spmem:s21], $0x20  }
0x102: {  	_ =	swait.ge [sflag:s10], $0x20  }
0x103: {  	[sflag:s10] =	ssyncset.done $0x0  }
0x104: {  	[sflag:s10] =	ssyncadd.s32 $0xFFFFFFE0  }
0x105: {  	_ =	sfence.sel $0x180000  }
0x106: {  	[bflag:$0x0] =	sbarrier.arrive $0xFFFF  }
0x107: {  	_ =	strace $0x90000047  }
0x108: {  	s0 =	sadd.s32 @!p0 $0x100000, s2;
	[bflag:$0x2] =	sbarrier.arrive $0xFFFF  }
0x109: {  	[sflag:s0] =	ssyncadd.tile.s32 @!p0 $0x1;
	_ =	shalt  }
.Lfunc_end2:
_tile_overlayer_lowered:
.L_overlay_start_2:
0x10a: {  	(tag) =	ssettag $0x2  }
0x10b: {  	s0 =	rddreg [dreg:$0x0];
	s2 =	stileid.u32  }
0x10c: {  	s1 =	rddreg [dreg:$0x1];
	p0 =	sne.s32 s2, $0x0  }
0x10d: {  	s3 =	rddreg [dreg:$0x2];
	[bflag:$0x3] =	sbarrier.arrive $0xFFFF;
	s2 =	simm.s32 @!p0 $0x1C02  }
0x10e: {  	[timem:s3], [sflag:s2] =	dma.local @!p0 [hbm:s0], s1  }
0x10f: {  	s0 =	simm.s32 @!p0 $0x2  }
0x110: {  	_ =	swait.ge @!p0 [sflag:s0], s1  }
0x111: {  	s1 =	ssub.s32 @!p0 $0x0, s1;
	[sflag:s0] =	ssyncset.done @!p0 $0x0  }
0x112: {  	[sflag:s0] =	ssyncadd.s32 @!p0 s1  }
0x113: {  	[bflag:$0x3] =	sbarrier.arrive $0xFFFF  }
0x114: {  	_ =	shalt  }

</sc_bundles>
